<compile_context>
chip_gen: v7x
topology: tpu7x:2x2x1
jax: 0.10.2.dev20260603
libtpu: 0.0.44.dev20260713+nightly
codegen_flags: <defaults>
</compile_context>

<pallas_src>
import functools

import jax
import jax.numpy as jnp
from jax import lax
from jax.experimental import pallas as pl
from jax.experimental.pallas import tpu as pltpu
from jax.experimental.pallas import tpu_sc as plsc

_NUM_WORKERS = 32
_CHUNK = 65536


def _sc_copy_body(x_hbm, o_hbm, buf, in_sems, out_sems):
    n_total = x_hbm.shape[0]
    per_worker = n_total // _NUM_WORKERS
    n_chunks = per_worker // _CHUNK
    wid = lax.axis_index("s") * 2 + lax.axis_index("c")
    base = wid * per_worker

    def in_copy(i, b):
        return pltpu.make_async_copy(
            x_hbm.at[pl.ds(base + i * _CHUNK, _CHUNK)], buf.at[b], in_sems.at[b]
        )

    def out_copy(i, b):
        return pltpu.make_async_copy(
            buf.at[b], o_hbm.at[pl.ds(base + i * _CHUNK, _CHUNK)], out_sems.at[b]
        )

    for i in range(n_chunks):
        c_in = in_copy(i, 0)
        c_in.start()
        c_in.wait()
        c_out = out_copy(i, 0)
        c_out.start()
        c_out.wait()


def kernel(x):
    B, C, N = x.shape
    n_total = B * C * N
    x_flat = x.reshape(n_total)
    mesh = plsc.VectorSubcoreMesh(core_axis_name="c", subcore_axis_name="s")
    out = pl.kernel(
        _sc_copy_body,
        out_type=jax.ShapeDtypeStruct((n_total,), x.dtype),
        mesh=mesh,
        scratch_types=[
            pltpu.VMEM((1, _CHUNK), jnp.float32),
            pltpu.SemaphoreType.DMA((1,)),
            pltpu.SemaphoreType.DMA((1,)),
        ],
    )(x_flat)
    return out.reshape(B, C * 4, N // 4)

# --- scband reference (transcript-rebuilt; emitter-appended) ---
"""Pipeline reference for scband-patch-healpix-pixelshuffle-62285615726779 (READ-ONLY COPY).

The authoritative reference and input builder live on the scoring server;
editing this copy changes nothing except your own understanding.
"""

import jax, jax.numpy as jnp
import numpy as np

NSIDE = 64
ORDER = 2

def _ordering():
    # hp.nside2npix(nside) = 12 * nside**2
    npix = 12 * NSIDE ** 2
    # DeepSphere hp_split: nsample = 12 * order**2, img.reshape([nsample, npix // nsample]); take [0]
    nsample = 12 * ORDER ** 2
    return np.arange(npix).reshape(nsample, npix // nsample)[0]


def setup_inputs(seed: int = 0) -> dict:
    key = jax.random.key(seed)
    x = jax.random.normal(key, (16, 256, 4096), dtype=jnp.float32)
    return {"x": x}


def reference(x):
    ordering = _ordering()  # length 1024 = 4 * C
    B, C, N = x.shape
    chunks = jnp.split(x, 4, axis=2)  # each [B, C, N//4]
    x1 = jnp.zeros((B, C * 4, N // 4), dtype=x.dtype)
    for i in range(4):
        idx = jnp.asarray(ordering[i::4], dtype=jnp.int32)  # length C
        x1 = x1.at[:, idx, :].set(chunks[i])  # scatter-overwrite along channel dim
    return x1

if __name__ == "__main__":
    import jax
    _d = setup_inputs()
    print(jax.jit(kernel)(*tuple(_d.values())))

</pallas_src>

<mosaic_0001>
#map = affine_map<(d0, d1) -> (0)>
module attributes {stable_mosaic.version = 14 : i64} {
  func.func @_sc_copy_body(%arg0: i32, %arg1: i32, %arg2: memref<16777216xf32, #tpu.memory_space<hbm>>, %arg3: memref<16777216xf32, #tpu.memory_space<hbm>>, %arg4: memref<1x65536xf32, #tpu.memory_space<vmem>>, %arg5: memref<1x!tpu.dma_semaphore, #tpu.memory_space<semaphore_mem>>, %arg6: memref<1x!tpu.dma_semaphore, #tpu.memory_space<semaphore_mem>>) attributes {dimension_semantics = [#tpu.dimension_semantics<core_parallel>, #tpu.dimension_semantics<subcore_parallel>], iteration_bounds = array<i64: 2, 16>, scalar_prefetch = 0 : i64, scratch_operands = 3 : i64, tpu.core_type = #tpu.core_type<sc_vector_subcore>, window_params = [{transform_indices = #map}, {transform_indices = #map}]} {
    %mul3A = arith.constant 2 : i32
    %mul3A_0 = arith.muli %arg1, %mul3A : i32
    %add3A = arith.addi %mul3A_0, %arg0 : i32
    %mul3A_1 = arith.constant 524288 : i32
    %mul3A_2 = arith.muli %add3A, %mul3A_1 : i32
    %add3A_3 = arith.constant 0 : i32
    %add3A_4 = arith.addi %mul3A_2, %add3A_3 : i32
    %dma_start3A = arith.constant 0 : i32
    %dma_start3A_5 = arith.constant 0 : i32
    %dma_start3A_6 = arith.constant 0 : i32
    %dma_start3A_7 = tpu.memref_slice %arg4[%dma_start3A, %dma_start3A_6] : memref<1x65536xf32, #tpu.memory_space<vmem>> -> memref<1x65536xf32, #tpu.memory_space<vmem>>
    %dma_start3A_8 = tpu.memref_squeeze %dma_start3A_7 : memref<1x65536xf32, #tpu.memory_space<vmem>> -> memref<65536xf32, #tpu.memory_space<vmem>>
    %dma_start3A_9 = tpu.memref_slice %arg2[%add3A_4] : memref<16777216xf32, #tpu.memory_space<hbm>> -> memref<65536xf32, #tpu.memory_space<hbm>>
    %dma_start3A_10 = tpu.memref_slice %arg5[%dma_start3A_5] : memref<1x!tpu.dma_semaphore, #tpu.memory_space<semaphore_mem>> -> memref<1x!tpu.dma_semaphore, #tpu.memory_space<semaphore_mem>>
    %dma_start3A_11 = tpu.memref_squeeze %dma_start3A_10 : memref<1x!tpu.dma_semaphore, #tpu.memory_space<semaphore_mem>> -> memref<!tpu.dma_semaphore, #tpu.memory_space<semaphore_mem>>
    %dma_start3A_12 = arith.constant 0 : i32
    %dma_start3A_13 = tpu.memref_slice %arg4[%dma_start3A, %dma_start3A_12] : memref<1x65536xf32, #tpu.memory_space<vmem>> -> memref<1x65536xf32, #tpu.memory_space<vmem>>
    %dma_start3A_14 = tpu.memref_squeeze %dma_start3A_13 : memref<1x65536xf32, #tpu.memory_space<vmem>> -> memref<65536xf32, #tpu.memory_space<vmem>>
    %dma_start3A_15 = tpu.memref_slice %arg2[%add3A_4] : memref<16777216xf32, #tpu.memory_space<hbm>> -> memref<65536xf32, #tpu.memory_space<hbm>>
    tpu.enqueue_dma source(%dma_start3A_15 : memref<65536xf32, #tpu.memory_space<hbm>>) target(%dma_start3A_14 : memref<65536xf32, #tpu.memory_space<vmem>>) target_semaphore(%dma_start3A_11 : memref<!tpu.dma_semaphore, #tpu.memory_space<semaphore_mem>>)
    %dma_wait3A = arith.constant 0 : i32
    %dma_wait3A_16 = arith.constant 0 : i32
    %dma_wait3A_17 = arith.constant 0 : i32
    %dma_wait3A_18 = tpu.memref_slice %arg4[%dma_wait3A, %dma_wait3A_17] : memref<1x65536xf32, #tpu.memory_space<vmem>> -> memref<1x65536xf32, #tpu.memory_space<vmem>>
    %dma_wait3A_19 = tpu.memref_squeeze %dma_wait3A_18 : memref<1x65536xf32, #tpu.memory_space<vmem>> -> memref<65536xf32, #tpu.memory_space<vmem>>
    %dma_wait3A_20 = tpu.memref_slice %arg2[%add3A_4] : memref<16777216xf32, #tpu.memory_space<hbm>> -> memref<65536xf32, #tpu.memory_space<hbm>>
    %dma_wait3A_21 = tpu.memref_slice %arg5[%dma_wait3A_16] : memref<1x!tpu.dma_semaphore, #tpu.memory_space<semaphore_mem>> -> memref<1x!tpu.dma_semaphore, #tpu.memory_space<semaphore_mem>>
    %dma_wait3A_22 = tpu.memref_squeeze %dma_wait3A_21 : memref<1x!tpu.dma_semaphore, #tpu.memory_space<semaphore_mem>> -> memref<!tpu.dma_semaphore, #tpu.memory_space<semaphore_mem>>
    %dma_wait3A_23 = arith.constant 0 : i32
    %dma_wait3A_24 = tpu.memref_slice %arg4[%dma_wait3A, %dma_wait3A_23] : memref<1x65536xf32, #tpu.memory_space<vmem>> -> memref<1x65536xf32, #tpu.memory_space<vmem>>
    %dma_wait3A_25 = tpu.memref_squeeze %dma_wait3A_24 : memref<1x65536xf32, #tpu.memory_space<vmem>> -> memref<65536xf32, #tpu.memory_space<vmem>>
    %dma_wait3A_26 = tpu.memref_slice %arg2[%add3A_4] : memref<16777216xf32, #tpu.memory_space<hbm>> -> memref<65536xf32, #tpu.memory_space<hbm>>
    tpu.wait_dma2 semaphore(%dma_wait3A_22 : memref<!tpu.dma_semaphore, #tpu.memory_space<semaphore_mem>>) src(%dma_wait3A_26 : memref<65536xf32, #tpu.memory_space<hbm>>) dst(%dma_wait3A_25 : memref<65536xf32, #tpu.memory_space<vmem>>)
    %add3A_27 = arith.constant 0 : i32
    %add3A_28 = arith.addi %mul3A_2, %add3A_27 : i32
    %dma_start3A_29 = arith.constant 0 : i32
    %dma_start3A_30 = arith.constant 0 : i32
    %dma_start3A_31 = arith.constant 0 : i32
    %dma_start3A_32 = tpu.memref_slice %arg4[%dma_start3A_29, %dma_start3A_31] : memref<1x65536xf32, #tpu.memory_space<vmem>> -> memref<1x65536xf32, #tpu.memory_space<vmem>>
    %dma_start3A_33 = tpu.memref_squeeze %dma_start3A_32 : memref<1x65536xf32, #tpu.memory_space<vmem>> -> memref<65536xf32, #tpu.memory_space<vmem>>
    %dma_start3A_34 = tpu.memref_slice %arg3[%add3A_28] : memref<16777216xf32, #tpu.memory_space<hbm>> -> memref<65536xf32, #tpu.memory_space<hbm>>
    %dma_start3A_35 = tpu.memref_slice %arg6[%dma_start3A_30] : memref<1x!tpu.dma_semaphore, #tpu.memory_space<semaphore_mem>> -> memref<1x!tpu.dma_semaphore, #tpu.memory_space<semaphore_mem>>
    %dma_start3A_36 = tpu.memref_squeeze %dma_start3A_35 : memref<1x!tpu.dma_semaphore, #tpu.memory_space<semaphore_mem>> -> memref<!tpu.dma_semaphore, #tpu.memory_space<semaphore_mem>>
    %dma_start3A_37 = tpu.memref_slice %arg3[%add3A_28] : memref<16777216xf32, #tpu.memory_space<hbm>> -> memref<65536xf32, #tpu.memory_space<hbm>>
    %dma_start3A_38 = arith.constant 0 : i32
    %dma_start3A_39 = tpu.memref_slice %arg4[%dma_start3A_29, %dma_start3A_38] : memref<1x65536xf32, #tpu.memory_space<vmem>> -> memref<1x65536xf32, #tpu.memory_space<vmem>>
    %dma_start3A_40 = tpu.memref_squeeze %dma_start3A_39 : memref<1x65536xf32, #tpu.memory_space<vmem>> -> memref<65536xf32, #tpu.memory_space<vmem>>
    tpu.enqueue_dma source(%dma_start3A_40 : memref<65536xf32, #tpu.memory_space<vmem>>) target(%dma_start3A_37 : memref<65536xf32, #tpu.memory_space<hbm>>) target_semaphore(%dma_start3A_36 : memref<!tpu.dma_semaphore, #tpu.memory_space<semaphore_mem>>)
    %dma_wait3A_41 = arith.constant 0 : i32
    %dma_wait3A_42 = arith.constant 0 : i32
    %dma_wait3A_43 = arith.constant 0 : i32
    %dma_wait3A_44 = tpu.memref_slice %arg4[%dma_wait3A_41, %dma_wait3A_43] : memref<1x65536xf32, #tpu.memory_space<vmem>> -> memref<1x65536xf32, #tpu.memory_space<vmem>>
    %dma_wait3A_45 = tpu.memref_squeeze %dma_wait3A_44 : memref<1x65536xf32, #tpu.memory_space<vmem>> -> memref<65536xf32, #tpu.memory_space<vmem>>
    %dma_wait3A_46 = tpu.memref_slice %arg3[%add3A_28] : memref<16777216xf32, #tpu.memory_space<hbm>> -> memref<65536xf32, #tpu.memory_space<hbm>>
    %dma_wait3A_47 = tpu.memref_slice %arg6[%dma_wait3A_42] : memref<1x!tpu.dma_semaphore, #tpu.memory_space<semaphore_mem>> -> memref<1x!tpu.dma_semaphore, #tpu.memory_space<semaphore_mem>>
    %dma_wait3A_48 = tpu.memref_squeeze %dma_wait3A_47 : memref<1x!tpu.dma_semaphore, #tpu.memory_space<semaphore_mem>> -> memref<!tpu.dma_semaphore, #tpu.memory_space<semaphore_mem>>
    %dma_wait3A_49 = tpu.memref_slice %arg3[%add3A_28] : memref<16777216xf32, #tpu.memory_space<hbm>> -> memref<65536xf32, #tpu.memory_space<hbm>>
    %dma_wait3A_50 = arith.constant 0 : i32
    %dma_wait3A_51 = tpu.memref_slice %arg4[%dma_wait3A_41, %dma_wait3A_50] : memref<1x65536xf32, #tpu.memory_space<vmem>> -> memref<1x65536xf32, #tpu.memory_space<vmem>>
    %dma_wait3A_52 = tpu.memref_squeeze %dma_wait3A_51 : memref<1x65536xf32, #tpu.memory_space<vmem>> -> memref<65536xf32, #tpu.memory_space<vmem>>
    tpu.wait_dma2 semaphore(%dma_wait3A_48 : memref<!tpu.dma_semaphore, #tpu.memory_space<semaphore_mem>>) src(%dma_wait3A_52 : memref<65536xf32, #tpu.memory_space<vmem>>) dst(%dma_wait3A_49 : memref<65536xf32, #tpu.memory_space<hbm>>)
    %add3A_53 = arith.constant 65536 : i32
    %add3A_54 = arith.addi %mul3A_2, %add3A_53 : i32
    %dma_start3A_55 = arith.constant 0 : i32
    %dma_start3A_56 = arith.constant 0 : i32
    %dma_start3A_57 = arith.constant 0 : i32
    %dma_start3A_58 = tpu.memref_slice %arg4[%dma_start3A_55, %dma_start3A_57] : memref<1x65536xf32, #tpu.memory_space<vmem>> -> memref<1x65536xf32, #tpu.memory_space<vmem>>
    %dma_start3A_59 = tpu.memref_squeeze %dma_start3A_58 : memref<1x65536xf32, #tpu.memory_space<vmem>> -> memref<65536xf32, #tpu.memory_space<vmem>>
    %dma_start3A_60 = tpu.memref_slice %arg2[%add3A_54] : memref<16777216xf32, #tpu.memory_space<hbm>> -> memref<65536xf32, #tpu.memory_space<hbm>>
    %dma_start3A_61 = tpu.memref_slice %arg5[%dma_start3A_56] : memref<1x!tpu.dma_semaphore, #tpu.memory_space<semaphore_mem>> -> memref<1x!tpu.dma_semaphore, #tpu.memory_space<semaphore_mem>>
    %dma_start3A_62 = tpu.memref_squeeze %dma_start3A_61 : memref<1x!tpu.dma_semaphore, #tpu.memory_space<semaphore_mem>> -> memref<!tpu.dma_semaphore, #tpu.memory_space<semaphore_mem>>
    %dma_start3A_63 = arith.constant 0 : i32
    %dma_start3A_64 = tpu.memref_slice %arg4[%dma_start3A_55, %dma_start3A_63] : memref<1x65536xf32, #tpu.memory_space<vmem>> -> memref<1x65536xf32, #tpu.memory_space<vmem>>
    %dma_start3A_65 = tpu.memref_squeeze %dma_start3A_64 : memref<1x65536xf32, #tpu.memory_space<vmem>> -> memref<65536xf32, #tpu.memory_space<vmem>>
    %dma_start3A_66 = tpu.memref_slice %arg2[%add3A_54] : memref<16777216xf32, #tpu.memory_space<hbm>> -> memref<65536xf32, #tpu.memory_space<hbm>>
    tpu.enqueue_dma source(%dma_start3A_66 : memref<65536xf32, #tpu.memory_space<hbm>>) target(%dma_start3A_65 : memref<65536xf32, #tpu.memory_space<vmem>>) target_semaphore(%dma_start3A_62 : memref<!tpu.dma_semaphore, #tpu.memory_space<semaphore_mem>>)
    %dma_wait3A_67 = arith.constant 0 : i32
    %dma_wait3A_68 = arith.constant 0 : i32
    %dma_wait3A_69 = arith.constant 0 : i32
    %dma_wait3A_70 = tpu.memref_slice %arg4[%dma_wait3A_67, %dma_wait3A_69] : memref<1x65536xf32, #tpu.memory_space<vmem>> -> memref<1x65536xf32, #tpu.memory_space<vmem>>
    %dma_wait3A_71 = tpu.memref_squeeze %dma_wait3A_70 : memref<1x65536xf32, #tpu.memory_space<vmem>> -> memref<65536xf32, #tpu.memory_space<vmem>>
    %dma_wait3A_72 = tpu.memref_slice %arg2[%add3A_54] : memref<16777216xf32, #tpu.memory_space<hbm>> -> memref<65536xf32, #tpu.memory_space<hbm>>
    %dma_wait3A_73 = tpu.memref_slice %arg5[%dma_wait3A_68] : memref<1x!tpu.dma_semaphore, #tpu.memory_space<semaphore_mem>> -> memref<1x!tpu.dma_semaphore, #tpu.memory_space<semaphore_mem>>
    %dma_wait3A_74 = tpu.memref_squeeze %dma_wait3A_73 : memref<1x!tpu.dma_semaphore, #tpu.memory_space<semaphore_mem>> -> memref<!tpu.dma_semaphore, #tpu.memory_space<semaphore_mem>>
    %dma_wait3A_75 = arith.constant 0 : i32
    %dma_wait3A_76 = tpu.memref_slice %arg4[%dma_wait3A_67, %dma_wait3A_75] : memref<1x65536xf32, #tpu.memory_space<vmem>> -> memref<1x65536xf32, #tpu.memory_space<vmem>>
    %dma_wait3A_77 = tpu.memref_squeeze %dma_wait3A_76 : memref<1x65536xf32, #tpu.memory_space<vmem>> -> memref<65536xf32, #tpu.memory_space<vmem>>
    %dma_wait3A_78 = tpu.memref_slice %arg2[%add3A_54] : memref<16777216xf32, #tpu.memory_space<hbm>> -> memref<65536xf32, #tpu.memory_space<hbm>>
    tpu.wait_dma2 semaphore(%dma_wait3A_74 : memref<!tpu.dma_semaphore, #tpu.memory_space<semaphore_mem>>) src(%dma_wait3A_78 : memref<65536xf32, #tpu.memory_space<hbm>>) dst(%dma_wait3A_77 : memref<65536xf32, #tpu.memory_space<vmem>>)
    %add3A_79 = arith.constant 65536 : i32
    %add3A_80 = arith.addi %mul3A_2, %add3A_79 : i32
    %dma_start3A_81 = arith.constant 0 : i32
    %dma_start3A_82 = arith.constant 0 : i32
    %dma_start3A_83 = arith.constant 0 : i32
    %dma_start3A_84 = tpu.memref_slice %arg4[%dma_start3A_81, %dma_start3A_83] : memref<1x65536xf32, #tpu.memory_space<vmem>> -> memref<1x65536xf32, #tpu.memory_space<vmem>>
    %dma_start3A_85 = tpu.memref_squeeze %dma_start3A_84 : memref<1x65536xf32, #tpu.memory_space<vmem>> -> memref<65536xf32, #tpu.memory_space<vmem>>
    %dma_start3A_86 = tpu.memref_slice %arg3[%add3A_80] : memref<16777216xf32, #tpu.memory_space<hbm>> -> memref<65536xf32, #tpu.memory_space<hbm>>
    %dma_start3A_87 = tpu.memref_slice %arg6[%dma_start3A_82] : memref<1x!tpu.dma_semaphore, #tpu.memory_space<semaphore_mem>> -> memref<1x!tpu.dma_semaphore, #tpu.memory_space<semaphore_mem>>
    %dma_start3A_88 = tpu.memref_squeeze %dma_start3A_87 : memref<1x!tpu.dma_semaphore, #tpu.memory_space<semaphore_mem>> -> memref<!tpu.dma_semaphore, #tpu.memory_space<semaphore_mem>>
    %dma_start3A_89 = tpu.memref_slice %arg3[%add3A_80] : memref<16777216xf32, #tpu.memory_space<hbm>> -> memref<65536xf32, #tpu.memory_space<hbm>>
    %dma_start3A_90 = arith.constant 0 : i32
    %dma_start3A_91 = tpu.memref_slice %arg4[%dma_start3A_81, %dma_start3A_90] : memref<1x65536xf32, #tpu.memory_space<vmem>> -> memref<1x65536xf32, #tpu.memory_space<vmem>>
    %dma_start3A_92 = tpu.memref_squeeze %dma_start3A_91 : memref<1x65536xf32, #tpu.memory_space<vmem>> -> memref<65536xf32, #tpu.memory_space<vmem>>
    tpu.enqueue_dma source(%dma_start3A_92 : memref<65536xf32, #tpu.memory_space<vmem>>) target(%dma_start3A_89 : memref<65536xf32, #tpu.memory_space<hbm>>) target_semaphore(%dma_start3A_88 : memref<!tpu.dma_semaphore, #tpu.memory_space<semaphore_mem>>)
    %dma_wait3A_93 = arith.constant 0 : i32
    %dma_wait3A_94 = arith.constant 0 : i32
    %dma_wait3A_95 = arith.constant 0 : i32
    %dma_wait3A_96 = tpu.memref_slice %arg4[%dma_wait3A_93, %dma_wait3A_95] : memref<1x65536xf32, #tpu.memory_space<vmem>> -> memref<1x65536xf32, #tpu.memory_space<vmem>>
    %dma_wait3A_97 = tpu.memref_squeeze %dma_wait3A_96 : memref<1x65536xf32, #tpu.memory_space<vmem>> -> memref<65536xf32, #tpu.memory_space<vmem>>
    %dma_wait3A_98 = tpu.memref_slice %arg3[%add3A_80] : memref<16777216xf32, #tpu.memory_space<hbm>> -> memref<65536xf32, #tpu.memory_space<hbm>>
    %dma_wait3A_99 = tpu.memref_slice %arg6[%dma_wait3A_94] : memref<1x!tpu.dma_semaphore, #tpu.memory_space<semaphore_mem>> -> memref<1x!tpu.dma_semaphore, #tpu.memory_space<semaphore_mem>>
    %dma_wait3A_100 = tpu.memref_squeeze %dma_wait3A_99 : memref<1x!tpu.dma_semaphore, #tpu.memory_space<semaphore_mem>> -> memref<!tpu.dma_semaphore, #tpu.memory_space<semaphore_mem>>
    %dma_wait3A_101 = tpu.memref_slice %arg3[%add3A_80] : memref<16777216xf32, #tpu.memory_space<hbm>> -> memref<65536xf32, #tpu.memory_space<hbm>>
    %dma_wait3A_102 = arith.constant 0 : i32
    %dma_wait3A_103 = tpu.memref_slice %arg4[%dma_wait3A_93, %dma_wait3A_102] : memref<1x65536xf32, #tpu.memory_space<vmem>> -> memref<1x65536xf32, #tpu.memory_space<vmem>>
    %dma_wait3A_104 = tpu.memref_squeeze %dma_wait3A_103 : memref<1x65536xf32, #tpu.memory_space<vmem>> -> memref<65536xf32, #tpu.memory_space<vmem>>
    tpu.wait_dma2 semaphore(%dma_wait3A_100 : memref<!tpu.dma_semaphore, #tpu.memory_space<semaphore_mem>>) src(%dma_wait3A_104 : memref<65536xf32, #tpu.memory_space<vmem>>) dst(%dma_wait3A_101 : memref<65536xf32, #tpu.memory_space<hbm>>)
    %add3A_105 = arith.constant 131072 : i32
    %add3A_106 = arith.addi %mul3A_2, %add3A_105 : i32
    %dma_start3A_107 = arith.constant 0 : i32
    %dma_start3A_108 = arith.constant 0 : i32
    %dma_start3A_109 = arith.constant 0 : i32
    %dma_start3A_110 = tpu.memref_slice %arg4[%dma_start3A_107, %dma_start3A_109] : memref<1x65536xf32, #tpu.memory_space<vmem>> -> memref<1x65536xf32, #tpu.memory_space<vmem>>
    %dma_start3A_111 = tpu.memref_squeeze %dma_start3A_110 : memref<1x65536xf32, #tpu.memory_space<vmem>> -> memref<65536xf32, #tpu.memory_space<vmem>>
    %dma_start3A_112 = tpu.memref_slice %arg2[%add3A_106] : memref<16777216xf32, #tpu.memory_space<hbm>> -> memref<65536xf32, #tpu.memory_space<hbm>>
    %dma_start3A_113 = tpu.memref_slice %arg5[%dma_start3A_108] : memref<1x!tpu.dma_semaphore, #tpu.memory_space<semaphore_mem>> -> memref<1x!tpu.dma_semaphore, #tpu.memory_space<semaphore_mem>>
    %dma_start3A_114 = tpu.memref_squeeze %dma_start3A_113 : memref<1x!tpu.dma_semaphore, #tpu.memory_space<semaphore_mem>> -> memref<!tpu.dma_semaphore, #tpu.memory_space<semaphore_mem>>
    %dma_start3A_115 = arith.constant 0 : i32
    %dma_start3A_116 = tpu.memref_slice %arg4[%dma_start3A_107, %dma_start3A_115] : memref<1x65536xf32, #tpu.memory_space<vmem>> -> memref<1x65536xf32, #tpu.memory_space<vmem>>
    %dma_start3A_117 = tpu.memref_squeeze %dma_start3A_116 : memref<1x65536xf32, #tpu.memory_space<vmem>> -> memref<65536xf32, #tpu.memory_space<vmem>>
    %dma_start3A_118 = tpu.memref_slice %arg2[%add3A_106] : memref<16777216xf32, #tpu.memory_space<hbm>> -> memref<65536xf32, #tpu.memory_space<hbm>>
    tpu.enqueue_dma source(%dma_start3A_118 : memref<65536xf32, #tpu.memory_space<hbm>>) target(%dma_start3A_117 : memref<65536xf32, #tpu.memory_space<vmem>>) target_semaphore(%dma_start3A_114 : memref<!tpu.dma_semaphore, #tpu.memory_space<semaphore_mem>>)
    %dma_wait3A_119 = arith.constant 0 : i32
    %dma_wait3A_120 = arith.constant 0 : i32
    %dma_wait3A_121 = arith.constant 0 : i32
    %dma_wait3A_122 = tpu.memref_slice %arg4[%dma_wait3A_119, %dma_wait3A_121] : memref<1x65536xf32, #tpu.memory_space<vmem>> -> memref<1x65536xf32, #tpu.memory_space<vmem>>
    %dma_wait3A_123 = tpu.memref_squeeze %dma_wait3A_122 : memref<1x65536xf32, #tpu.memory_space<vmem>> -> memref<65536xf32, #tpu.memory_space<vmem>>
    %dma_wait3A_124 = tpu.memref_slice %arg2[%add3A_106] : memref<16777216xf32, #tpu.memory_space<hbm>> -> memref<65536xf32, #tpu.memory_space<hbm>>
    %dma_wait3A_125 = tpu.memref_slice %arg5[%dma_wait3A_120] : memref<1x!tpu.dma_semaphore, #tpu.memory_space<semaphore_mem>> -> memref<1x!tpu.dma_semaphore, #tpu.memory_space<semaphore_mem>>
    %dma_wait3A_126 = tpu.memref_squeeze %dma_wait3A_125 : memref<1x!tpu.dma_semaphore, #tpu.memory_space<semaphore_mem>> -> memref<!tpu.dma_semaphore, #tpu.memory_space<semaphore_mem>>
    %dma_wait3A_127 = arith.constant 0 : i32
    %dma_wait3A_128 = tpu.memref_slice %arg4[%dma_wait3A_119, %dma_wait3A_127] : memref<1x65536xf32, #tpu.memory_space<vmem>> -> memref<1x65536xf32, #tpu.memory_space<vmem>>
    %dma_wait3A_129 = tpu.memref_squeeze %dma_wait3A_128 : memref<1x65536xf32, #tpu.memory_space<vmem>> -> memref<65536xf32, #tpu.memory_space<vmem>>
    %dma_wait3A_130 = tpu.memref_slice %arg2[%add3A_106] : memref<16777216xf32, #tpu.memory_space<hbm>> -> memref<65536xf32, #tpu.memory_space<hbm>>
    tpu.wait_dma2 semaphore(%dma_wait3A_126 : memref<!tpu.dma_semaphore, #tpu.memory_space<semaphore_mem>>) src(%dma_wait3A_130 : memref<65536xf32, #tpu.memory_space<hbm>>) dst(%dma_wait3A_129 : memref<65536xf32, #tpu.memory_space<vmem>>)
    %add3A_131 = arith.constant 131072 : i32
    %add3A_132 = arith.addi %mul3A_2, %add3A_131 : i32
    %dma_start3A_133 = arith.constant 0 : i32
    %dma_start3A_134 = arith.constant 0 : i32
    %dma_start3A_135 = arith.constant 0 : i32
    %dma_start3A_136 = tpu.memref_slice %arg4[%dma_start3A_133, %dma_start3A_135] : memref<1x65536xf32, #tpu.memory_space<vmem>> -> memref<1x65536xf32, #tpu.memory_space<vmem>>
    %dma_start3A_137 = tpu.memref_squeeze %dma_start3A_136 : memref<1x65536xf32, #tpu.memory_space<vmem>> -> memref<65536xf32, #tpu.memory_space<vmem>>
    %dma_start3A_138 = tpu.memref_slice %arg3[%add3A_132] : memref<16777216xf32, #tpu.memory_space<hbm>> -> memref<65536xf32, #tpu.memory_space<hbm>>
    %dma_start3A_139 = tpu.memref_slice %arg6[%dma_start3A_134] : memref<1x!tpu.dma_semaphore, #tpu.memory_space<semaphore_mem>> -> memref<1x!tpu.dma_semaphore, #tpu.memory_space<semaphore_mem>>
    %dma_start3A_140 = tpu.memref_squeeze %dma_start3A_139 : memref<1x!tpu.dma_semaphore, #tpu.memory_space<semaphore_mem>> -> memref<!tpu.dma_semaphore, #tpu.memory_space<semaphore_mem>>
    %dma_start3A_141 = tpu.memref_slice %arg3[%add3A_132] : memref<16777216xf32, #tpu.memory_space<hbm>> -> memref<65536xf32, #tpu.memory_space<hbm>>
    %dma_start3A_142 = arith.constant 0 : i32
    %dma_start3A_143 = tpu.memref_slice %arg4[%dma_start3A_133, %dma_start3A_142] : memref<1x65536xf32, #tpu.memory_space<vmem>> -> memref<1x65536xf32, #tpu.memory_space<vmem>>
    %dma_start3A_144 = tpu.memref_squeeze %dma_start3A_143 : memref<1x65536xf32, #tpu.memory_space<vmem>> -> memref<65536xf32, #tpu.memory_space<vmem>>
    tpu.enqueue_dma source(%dma_start3A_144 : memref<65536xf32, #tpu.memory_space<vmem>>) target(%dma_start3A_141 : memref<65536xf32, #tpu.memory_space<hbm>>) target_semaphore(%dma_start3A_140 : memref<!tpu.dma_semaphore, #tpu.memory_space<semaphore_mem>>)
    %dma_wait3A_145 = arith.constant 0 : i32
    %dma_wait3A_146 = arith.constant 0 : i32
    %dma_wait3A_147 = arith.constant 0 : i32
    %dma_wait3A_148 = tpu.memref_slice %arg4[%dma_wait3A_145, %dma_wait3A_147] : memref<1x65536xf32, #tpu.memory_space<vmem>> -> memref<1x65536xf32, #tpu.memory_space<vmem>>
    %dma_wait3A_149 = tpu.memref_squeeze %dma_wait3A_148 : memref<1x65536xf32, #tpu.memory_space<vmem>> -> memref<65536xf32, #tpu.memory_space<vmem>>
    %dma_wait3A_150 = tpu.memref_slice %arg3[%add3A_132] : memref<16777216xf32, #tpu.memory_space<hbm>> -> memref<65536xf32, #tpu.memory_space<hbm>>
    %dma_wait3A_151 = tpu.memref_slice %arg6[%dma_wait3A_146] : memref<1x!tpu.dma_semaphore, #tpu.memory_space<semaphore_mem>> -> memref<1x!tpu.dma_semaphore, #tpu.memory_space<semaphore_mem>>
    %dma_wait3A_152 = tpu.memref_squeeze %dma_wait3A_151 : memref<1x!tpu.dma_semaphore, #tpu.memory_space<semaphore_mem>> -> memref<!tpu.dma_semaphore, #tpu.memory_space<semaphore_mem>>
    %dma_wait3A_153 = tpu.memref_slice %arg3[%add3A_132] : memref<16777216xf32, #tpu.memory_space<hbm>> -> memref<65536xf32, #tpu.memory_space<hbm>>
    %dma_wait3A_154 = arith.constant 0 : i32
    %dma_wait3A_155 = tpu.memref_slice %arg4[%dma_wait3A_145, %dma_wait3A_154] : memref<1x65536xf32, #tpu.memory_space<vmem>> -> memref<1x65536xf32, #tpu.memory_space<vmem>>
    %dma_wait3A_156 = tpu.memref_squeeze %dma_wait3A_155 : memref<1x65536xf32, #tpu.memory_space<vmem>> -> memref<65536xf32, #tpu.memory_space<vmem>>
    tpu.wait_dma2 semaphore(%dma_wait3A_152 : memref<!tpu.dma_semaphore, #tpu.memory_space<semaphore_mem>>) src(%dma_wait3A_156 : memref<65536xf32, #tpu.memory_space<vmem>>) dst(%dma_wait3A_153 : memref<65536xf32, #tpu.memory_space<hbm>>)
    %add3A_157 = arith.constant 196608 : i32
    %add3A_158 = arith.addi %mul3A_2, %add3A_157 : i32
    %dma_start3A_159 = arith.constant 0 : i32
    %dma_start3A_160 = arith.constant 0 : i32
    %dma_start3A_161 = arith.constant 0 : i32
    %dma_start3A_162 = tpu.memref_slice %arg4[%dma_start3A_159, %dma_start3A_161] : memref<1x65536xf32, #tpu.memory_space<vmem>> -> memref<1x65536xf32, #tpu.memory_space<vmem>>
    %dma_start3A_163 = tpu.memref_squeeze %dma_start3A_162 : memref<1x65536xf32, #tpu.memory_space<vmem>> -> memref<65536xf32, #tpu.memory_space<vmem>>
    %dma_start3A_164 = tpu.memref_slice %arg2[%add3A_158] : memref<16777216xf32, #tpu.memory_space<hbm>> -> memref<65536xf32, #tpu.memory_space<hbm>>
    %dma_start3A_165 = tpu.memref_slice %arg5[%dma_start3A_160] : memref<1x!tpu.dma_semaphore, #tpu.memory_space<semaphore_mem>> -> memref<1x!tpu.dma_semaphore, #tpu.memory_space<semaphore_mem>>
    %dma_start3A_166 = tpu.memref_squeeze %dma_start3A_165 : memref<1x!tpu.dma_semaphore, #tpu.memory_space<semaphore_mem>> -> memref<!tpu.dma_semaphore, #tpu.memory_space<semaphore_mem>>
    %dma_start3A_167 = arith.constant 0 : i32
    %dma_start3A_168 = tpu.memref_slice %arg4[%dma_start3A_159, %dma_start3A_167] : memref<1x65536xf32, #tpu.memory_space<vmem>> -> memref<1x65536xf32, #tpu.memory_space<vmem>>
    %dma_start3A_169 = tpu.memref_squeeze %dma_start3A_168 : memref<1x65536xf32, #tpu.memory_space<vmem>> -> memref<65536xf32, #tpu.memory_space<vmem>>
    %dma_start3A_170 = tpu.memref_slice %arg2[%add3A_158] : memref<16777216xf32, #tpu.memory_space<hbm>> -> memref<65536xf32, #tpu.memory_space<hbm>>
    tpu.enqueue_dma source(%dma_start3A_170 : memref<65536xf32, #tpu.memory_space<hbm>>) target(%dma_start3A_169 : memref<65536xf32, #tpu.memory_space<vmem>>) target_semaphore(%dma_start3A_166 : memref<!tpu.dma_semaphore, #tpu.memory_space<semaphore_mem>>)
    %dma_wait3A_171 = arith.constant 0 : i32
    %dma_wait3A_172 = arith.constant 0 : i32
    %dma_wait3A_173 = arith.constant 0 : i32
    %dma_wait3A_174 = tpu.memref_slice %arg4[%dma_wait3A_171, %dma_wait3A_173] : memref<1x65536xf32, #tpu.memory_space<vmem>> -> memref<1x65536xf32, #tpu.memory_space<vmem>>
    %dma_wait3A_175 = tpu.memref_squeeze %dma_wait3A_174 : memref<1x65536xf32, #tpu.memory_space<vmem>> -> memref<65536xf32, #tpu.memory_space<vmem>>
    %dma_wait3A_176 = tpu.memref_slice %arg2[%add3A_158] : memref<16777216xf32, #tpu.memory_space<hbm>> -> memref<65536xf32, #tpu.memory_space<hbm>>
    %dma_wait3A_177 = tpu.memref_slice %arg5[%dma_wait3A_172] : memref<1x!tpu.dma_semaphore, #tpu.memory_space<semaphore_mem>> -> memref<1x!tpu.dma_semaphore, #tpu.memory_space<semaphore_mem>>
    %dma_wait3A_178 = tpu.memref_squeeze %dma_wait3A_177 : memref<1x!tpu.dma_semaphore, #tpu.memory_space<semaphore_mem>> -> memref<!tpu.dma_semaphore, #tpu.memory_space<semaphore_mem>>
    %dma_wait3A_179 = arith.constant 0 : i32
    %dma_wait3A_180 = tpu.memref_slice %arg4[%dma_wait3A_171, %dma_wait3A_179] : memref<1x65536xf32, #tpu.memory_space<vmem>> -> memref<1x65536xf32, #tpu.memory_space<vmem>>
    %dma_wait3A_181 = tpu.memref_squeeze %dma_wait3A_180 : memref<1x65536xf32, #tpu.memory_space<vmem>> -> memref<65536xf32, #tpu.memory_space<vmem>>
    %dma_wait3A_182 = tpu.memref_slice %arg2[%add3A_158] : memref<16777216xf32, #tpu.memory_space<hbm>> -> memref<65536xf32, #tpu.memory_space<hbm>>
    tpu.wait_dma2 semaphore(%dma_wait3A_178 : memref<!tpu.dma_semaphore, #tpu.memory_space<semaphore_mem>>) src(%dma_wait3A_182 : memref<65536xf32, #tpu.memory_space<hbm>>) dst(%dma_wait3A_181 : memref<65536xf32, #tpu.memory_space<vmem>>)
    %add3A_183 = arith.constant 196608 : i32
    %add3A_184 = arith.addi %mul3A_2, %add3A_183 : i32
    %dma_start3A_185 = arith.constant 0 : i32
    %dma_start3A_186 = arith.constant 0 : i32
    %dma_start3A_187 = arith.constant 0 : i32
    %dma_start3A_188 = tpu.memref_slice %arg4[%dma_start3A_185, %dma_start3A_187] : memref<1x65536xf32, #tpu.memory_space<vmem>> -> memref<1x65536xf32, #tpu.memory_space<vmem>>
    %dma_start3A_189 = tpu.memref_squeeze %dma_start3A_188 : memref<1x65536xf32, #tpu.memory_space<vmem>> -> memref<65536xf32, #tpu.memory_space<vmem>>
    %dma_start3A_190 = tpu.memref_slice %arg3[%add3A_184] : memref<16777216xf32, #tpu.memory_space<hbm>> -> memref<65536xf32, #tpu.memory_space<hbm>>
    %dma_start3A_191 = tpu.memref_slice %arg6[%dma_start3A_186] : memref<1x!tpu.dma_semaphore, #tpu.memory_space<semaphore_mem>> -> memref<1x!tpu.dma_semaphore, #tpu.memory_space<semaphore_mem>>
    %dma_start3A_192 = tpu.memref_squeeze %dma_start3A_191 : memref<1x!tpu.dma_semaphore, #tpu.memory_space<semaphore_mem>> -> memref<!tpu.dma_semaphore, #tpu.memory_space<semaphore_mem>>
    %dma_start3A_193 = tpu.memref_slice %arg3[%add3A_184] : memref<16777216xf32, #tpu.memory_space<hbm>> -> memref<65536xf32, #tpu.memory_space<hbm>>
    %dma_start3A_194 = arith.constant 0 : i32
    %dma_start3A_195 = tpu.memref_slice %arg4[%dma_start3A_185, %dma_start3A_194] : memref<1x65536xf32, #tpu.memory_space<vmem>> -> memref<1x65536xf32, #tpu.memory_space<vmem>>
    %dma_start3A_196 = tpu.memref_squeeze %dma_start3A_195 : memref<1x65536xf32, #tpu.memory_space<vmem>> -> memref<65536xf32, #tpu.memory_space<vmem>>
    tpu.enqueue_dma source(%dma_start3A_196 : memref<65536xf32, #tpu.memory_space<vmem>>) target(%dma_start3A_193 : memref<65536xf32, #tpu.memory_space<hbm>>) target_semaphore(%dma_start3A_192 : memref<!tpu.dma_semaphore, #tpu.memory_space<semaphore_mem>>)
    %dma_wait3A_197 = arith.constant 0 : i32
    %dma_wait3A_198 = arith.constant 0 : i32
    %dma_wait3A_199 = arith.constant 0 : i32
    %dma_wait3A_200 = tpu.memref_slice %arg4[%dma_wait3A_197, %dma_wait3A_199] : memref<1x65536xf32, #tpu.memory_space<vmem>> -> memref<1x65536xf32, #tpu.memory_space<vmem>>
    %dma_wait3A_201 = tpu.memref_squeeze %dma_wait3A_200 : memref<1x65536xf32, #tpu.memory_space<vmem>> -> memref<65536xf32, #tpu.memory_space<vmem>>
    %dma_wait3A_202 = tpu.memref_slice %arg3[%add3A_184] : memref<16777216xf32, #tpu.memory_space<hbm>> -> memref<65536xf32, #tpu.memory_space<hbm>>
    %dma_wait3A_203 = tpu.memref_slice %arg6[%dma_wait3A_198] : memref<1x!tpu.dma_semaphore, #tpu.memory_space<semaphore_mem>> -> memref<1x!tpu.dma_semaphore, #tpu.memory_space<semaphore_mem>>
    %dma_wait3A_204 = tpu.memref_squeeze %dma_wait3A_203 : memref<1x!tpu.dma_semaphore, #tpu.memory_space<semaphore_mem>> -> memref<!tpu.dma_semaphore, #tpu.memory_space<semaphore_mem>>
    %dma_wait3A_205 = tpu.memref_slice %arg3[%add3A_184] : memref<16777216xf32, #tpu.memory_space<hbm>> -> memref<65536xf32, #tpu.memory_space<hbm>>
    %dma_wait3A_206 = arith.constant 0 : i32
    %dma_wait3A_207 = tpu.memref_slice %arg4[%dma_wait3A_197, %dma_wait3A_206] : memref<1x65536xf32, #tpu.memory_space<vmem>> -> memref<1x65536xf32, #tpu.memory_space<vmem>>
    %dma_wait3A_208 = tpu.memref_squeeze %dma_wait3A_207 : memref<1x65536xf32, #tpu.memory_space<vmem>> -> memref<65536xf32, #tpu.memory_space<vmem>>
    tpu.wait_dma2 semaphore(%dma_wait3A_204 : memref<!tpu.dma_semaphore, #tpu.memory_space<semaphore_mem>>) src(%dma_wait3A_208 : memref<65536xf32, #tpu.memory_space<vmem>>) dst(%dma_wait3A_205 : memref<65536xf32, #tpu.memory_space<hbm>>)
    %add3A_209 = arith.constant 262144 : i32
    %add3A_210 = arith.addi %mul3A_2, %add3A_209 : i32
    %dma_start3A_211 = arith.constant 0 : i32
    %dma_start3A_212 = arith.constant 0 : i32
    %dma_start3A_213 = arith.constant 0 : i32
    %dma_start3A_214 = tpu.memref_slice %arg4[%dma_start3A_211, %dma_start3A_213] : memref<1x65536xf32, #tpu.memory_space<vmem>> -> memref<1x65536xf32, #tpu.memory_space<vmem>>
    %dma_start3A_215 = tpu.memref_squeeze %dma_start3A_214 : memref<1x65536xf32, #tpu.memory_space<vmem>> -> memref<65536xf32, #tpu.memory_space<vmem>>
    %dma_start3A_216 = tpu.memref_slice %arg2[%add3A_210] : memref<16777216xf32, #tpu.memory_space<hbm>> -> memref<65536xf32, #tpu.memory_space<hbm>>
    %dma_start3A_217 = tpu.memref_slice %arg5[%dma_start3A_212] : memref<1x!tpu.dma_semaphore, #tpu.memory_space<semaphore_mem>> -> memref<1x!tpu.dma_semaphore, #tpu.memory_space<semaphore_mem>>
    %dma_start3A_218 = tpu.memref_squeeze %dma_start3A_217 : memref<1x!tpu.dma_semaphore, #tpu.memory_space<semaphore_mem>> -> memref<!tpu.dma_semaphore, #tpu.memory_space<semaphore_mem>>
    %dma_start3A_219 = arith.constant 0 : i32
    %dma_start3A_220 = tpu.memref_slice %arg4[%dma_start3A_211, %dma_start3A_219] : memref<1x65536xf32, #tpu.memory_space<vmem>> -> memref<1x65536xf32, #tpu.memory_space<vmem>>
    %dma_start3A_221 = tpu.memref_squeeze %dma_start3A_220 : memref<1x65536xf32, #tpu.memory_space<vmem>> -> memref<65536xf32, #tpu.memory_space<vmem>>
    %dma_start3A_222 = tpu.memref_slice %arg2[%add3A_210] : memref<16777216xf32, #tpu.memory_space<hbm>> -> memref<65536xf32, #tpu.memory_space<hbm>>
    tpu.enqueue_dma source(%dma_start3A_222 : memref<65536xf32, #tpu.memory_space<hbm>>) target(%dma_start3A_221 : memref<65536xf32, #tpu.memory_space<vmem>>) target_semaphore(%dma_start3A_218 : memref<!tpu.dma_semaphore, #tpu.memory_space<semaphore_mem>>)
    %dma_wait3A_223 = arith.constant 0 : i32
    %dma_wait3A_224 = arith.constant 0 : i32
    %dma_wait3A_225 = arith.constant 0 : i32
    %dma_wait3A_226 = tpu.memref_slice %arg4[%dma_wait3A_223, %dma_wait3A_225] : memref<1x65536xf32, #tpu.memory_space<vmem>> -> memref<1x65536xf32, #tpu.memory_space<vmem>>
    %dma_wait3A_227 = tpu.memref_squeeze %dma_wait3A_226 : memref<1x65536xf32, #tpu.memory_space<vmem>> -> memref<65536xf32, #tpu.memory_space<vmem>>
    %dma_wait3A_228 = tpu.memref_slice %arg2[%add3A_210] : memref<16777216xf32, #tpu.memory_space<hbm>> -> memref<65536xf32, #tpu.memory_space<hbm>>
    %dma_wait3A_229 = tpu.memref_slice %arg5[%dma_wait3A_224] : memref<1x!tpu.dma_semaphore, #tpu.memory_space<semaphore_mem>> -> memref<1x!tpu.dma_semaphore, #tpu.memory_space<semaphore_mem>>
    %dma_wait3A_230 = tpu.memref_squeeze %dma_wait3A_229 : memref<1x!tpu.dma_semaphore, #tpu.memory_space<semaphore_mem>> -> memref<!tpu.dma_semaphore, #tpu.memory_space<semaphore_mem>>
    %dma_wait3A_231 = arith.constant 0 : i32
    %dma_wait3A_232 = tpu.memref_slice %arg4[%dma_wait3A_223, %dma_wait3A_231] : memref<1x65536xf32, #tpu.memory_space<vmem>> -> memref<1x65536xf32, #tpu.memory_space<vmem>>
    %dma_wait3A_233 = tpu.memref_squeeze %dma_wait3A_232 : memref<1x65536xf32, #tpu.memory_space<vmem>> -> memref<65536xf32, #tpu.memory_space<vmem>>
    %dma_wait3A_234 = tpu.memref_slice %arg2[%add3A_210] : memref<16777216xf32, #tpu.memory_space<hbm>> -> memref<65536xf32, #tpu.memory_space<hbm>>
    tpu.wait_dma2 semaphore(%dma_wait3A_230 : memref<!tpu.dma_semaphore, #tpu.memory_space<semaphore_mem>>) src(%dma_wait3A_234 : memref<65536xf32, #tpu.memory_space<hbm>>) dst(%dma_wait3A_233 : memref<65536xf32, #tpu.memory_space<vmem>>)
    %add3A_235 = arith.constant 262144 : i32
    %add3A_236 = arith.addi %mul3A_2, %add3A_235 : i32
    %dma_start3A_237 = arith.constant 0 : i32
    %dma_start3A_238 = arith.constant 0 : i32
    %dma_start3A_239 = arith.constant 0 : i32
    %dma_start3A_240 = tpu.memref_slice %arg4[%dma_start3A_237, %dma_start3A_239] : memref<1x65536xf32, #tpu.memory_space<vmem>> -> memref<1x65536xf32, #tpu.memory_space<vmem>>
    %dma_start3A_241 = tpu.memref_squeeze %dma_start3A_240 : memref<1x65536xf32, #tpu.memory_space<vmem>> -> memref<65536xf32, #tpu.memory_space<vmem>>
    %dma_start3A_242 = tpu.memref_slice %arg3[%add3A_236] : memref<16777216xf32, #tpu.memory_space<hbm>> -> memref<65536xf32, #tpu.memory_space<hbm>>
    %dma_start3A_243 = tpu.memref_slice %arg6[%dma_start3A_238] : memref<1x!tpu.dma_semaphore, #tpu.memory_space<semaphore_mem>> -> memref<1x!tpu.dma_semaphore, #tpu.memory_space<semaphore_mem>>
    %dma_start3A_244 = tpu.memref_squeeze %dma_start3A_243 : memref<1x!tpu.dma_semaphore, #tpu.memory_space<semaphore_mem>> -> memref<!tpu.dma_semaphore, #tpu.memory_space<semaphore_mem>>
    %dma_start3A_245 = tpu.memref_slice %arg3[%add3A_236] : memref<16777216xf32, #tpu.memory_space<hbm>> -> memref<65536xf32, #tpu.memory_space<hbm>>
    %dma_start3A_246 = arith.constant 0 : i32
    %dma_start3A_247 = tpu.memref_slice %arg4[%dma_start3A_237, %dma_start3A_246] : memref<1x65536xf32, #tpu.memory_space<vmem>> -> memref<1x65536xf32, #tpu.memory_space<vmem>>
    %dma_start3A_248 = tpu.memref_squeeze %dma_start3A_247 : memref<1x65536xf32, #tpu.memory_space<vmem>> -> memref<65536xf32, #tpu.memory_space<vmem>>
    tpu.enqueue_dma source(%dma_start3A_248 : memref<65536xf32, #tpu.memory_space<vmem>>) target(%dma_start3A_245 : memref<65536xf32, #tpu.memory_space<hbm>>) target_semaphore(%dma_start3A_244 : memref<!tpu.dma_semaphore, #tpu.memory_space<semaphore_mem>>)
    %dma_wait3A_249 = arith.constant 0 : i32
    %dma_wait3A_250 = arith.constant 0 : i32
    %dma_wait3A_251 = arith.constant 0 : i32
    %dma_wait3A_252 = tpu.memref_slice %arg4[%dma_wait3A_249, %dma_wait3A_251] : memref<1x65536xf32, #tpu.memory_space<vmem>> -> memref<1x65536xf32, #tpu.memory_space<vmem>>
    %dma_wait3A_253 = tpu.memref_squeeze %dma_wait3A_252 : memref<1x65536xf32, #tpu.memory_space<vmem>> -> memref<65536xf32, #tpu.memory_space<vmem>>
    %dma_wait3A_254 = tpu.memref_slice %arg3[%add3A_236] : memref<16777216xf32, #tpu.memory_space<hbm>> -> memref<65536xf32, #tpu.memory_space<hbm>>
    %dma_wait3A_255 = tpu.memref_slice %arg6[%dma_wait3A_250] : memref<1x!tpu.dma_semaphore, #tpu.memory_space<semaphore_mem>> -> memref<1x!tpu.dma_semaphore, #tpu.memory_space<semaphore_mem>>
    %dma_wait3A_256 = tpu.memref_squeeze %dma_wait3A_255 : memref<1x!tpu.dma_semaphore, #tpu.memory_space<semaphore_mem>> -> memref<!tpu.dma_semaphore, #tpu.memory_space<semaphore_mem>>
    %dma_wait3A_257 = tpu.memref_slice %arg3[%add3A_236] : memref<16777216xf32, #tpu.memory_space<hbm>> -> memref<65536xf32, #tpu.memory_space<hbm>>
    %dma_wait3A_258 = arith.constant 0 : i32
    %dma_wait3A_259 = tpu.memref_slice %arg4[%dma_wait3A_249, %dma_wait3A_258] : memref<1x65536xf32, #tpu.memory_space<vmem>> -> memref<1x65536xf32, #tpu.memory_space<vmem>>
    %dma_wait3A_260 = tpu.memref_squeeze %dma_wait3A_259 : memref<1x65536xf32, #tpu.memory_space<vmem>> -> memref<65536xf32, #tpu.memory_space<vmem>>
    tpu.wait_dma2 semaphore(%dma_wait3A_256 : memref<!tpu.dma_semaphore, #tpu.memory_space<semaphore_mem>>) src(%dma_wait3A_260 : memref<65536xf32, #tpu.memory_space<vmem>>) dst(%dma_wait3A_257 : memref<65536xf32, #tpu.memory_space<hbm>>)
    %add3A_261 = arith.constant 327680 : i32
    %add3A_262 = arith.addi %mul3A_2, %add3A_261 : i32
    %dma_start3A_263 = arith.constant 0 : i32
    %dma_start3A_264 = arith.constant 0 : i32
    %dma_start3A_265 = arith.constant 0 : i32
    %dma_start3A_266 = tpu.memref_slice %arg4[%dma_start3A_263, %dma_start3A_265] : memref<1x65536xf32, #tpu.memory_space<vmem>> -> memref<1x65536xf32, #tpu.memory_space<vmem>>
    %dma_start3A_267 = tpu.memref_squeeze %dma_start3A_266 : memref<1x65536xf32, #tpu.memory_space<vmem>> -> memref<65536xf32, #tpu.memory_space<vmem>>
    %dma_start3A_268 = tpu.memref_slice %arg2[%add3A_262] : memref<16777216xf32, #tpu.memory_space<hbm>> -> memref<65536xf32, #tpu.memory_space<hbm>>
    %dma_start3A_269 = tpu.memref_slice %arg5[%dma_start3A_264] : memref<1x!tpu.dma_semaphore, #tpu.memory_space<semaphore_mem>> -> memref<1x!tpu.dma_semaphore, #tpu.memory_space<semaphore_mem>>
    %dma_start3A_270 = tpu.memref_squeeze %dma_start3A_269 : memref<1x!tpu.dma_semaphore, #tpu.memory_space<semaphore_mem>> -> memref<!tpu.dma_semaphore, #tpu.memory_space<semaphore_mem>>
    %dma_start3A_271 = arith.constant 0 : i32
    %dma_start3A_272 = tpu.memref_slice %arg4[%dma_start3A_263, %dma_start3A_271] : memref<1x65536xf32, #tpu.memory_space<vmem>> -> memref<1x65536xf32, #tpu.memory_space<vmem>>
    %dma_start3A_273 = tpu.memref_squeeze %dma_start3A_272 : memref<1x65536xf32, #tpu.memory_space<vmem>> -> memref<65536xf32, #tpu.memory_space<vmem>>
    %dma_start3A_274 = tpu.memref_slice %arg2[%add3A_262] : memref<16777216xf32, #tpu.memory_space<hbm>> -> memref<65536xf32, #tpu.memory_space<hbm>>
    tpu.enqueue_dma source(%dma_start3A_274 : memref<65536xf32, #tpu.memory_space<hbm>>) target(%dma_start3A_273 : memref<65536xf32, #tpu.memory_space<vmem>>) target_semaphore(%dma_start3A_270 : memref<!tpu.dma_semaphore, #tpu.memory_space<semaphore_mem>>)
    %dma_wait3A_275 = arith.constant 0 : i32
    %dma_wait3A_276 = arith.constant 0 : i32
    %dma_wait3A_277 = arith.constant 0 : i32
    %dma_wait3A_278 = tpu.memref_slice %arg4[%dma_wait3A_275, %dma_wait3A_277] : memref<1x65536xf32, #tpu.memory_space<vmem>> -> memref<1x65536xf32, #tpu.memory_space<vmem>>
    %dma_wait3A_279 = tpu.memref_squeeze %dma_wait3A_278 : memref<1x65536xf32, #tpu.memory_space<vmem>> -> memref<65536xf32, #tpu.memory_space<vmem>>
    %dma_wait3A_280 = tpu.memref_slice %arg2[%add3A_262] : memref<16777216xf32, #tpu.memory_space<hbm>> -> memref<65536xf32, #tpu.memory_space<hbm>>
    %dma_wait3A_281 = tpu.memref_slice %arg5[%dma_wait3A_276] : memref<1x!tpu.dma_semaphore, #tpu.memory_space<semaphore_mem>> -> memref<1x!tpu.dma_semaphore, #tpu.memory_space<semaphore_mem>>
    %dma_wait3A_282 = tpu.memref_squeeze %dma_wait3A_281 : memref<1x!tpu.dma_semaphore, #tpu.memory_space<semaphore_mem>> -> memref<!tpu.dma_semaphore, #tpu.memory_space<semaphore_mem>>
    %dma_wait3A_283 = arith.constant 0 : i32
    %dma_wait3A_284 = tpu.memref_slice %arg4[%dma_wait3A_275, %dma_wait3A_283] : memref<1x65536xf32, #tpu.memory_space<vmem>> -> memref<1x65536xf32, #tpu.memory_space<vmem>>
    %dma_wait3A_285 = tpu.memref_squeeze %dma_wait3A_284 : memref<1x65536xf32, #tpu.memory_space<vmem>> -> memref<65536xf32, #tpu.memory_space<vmem>>
    %dma_wait3A_286 = tpu.memref_slice %arg2[%add3A_262] : memref<16777216xf32, #tpu.memory_space<hbm>> -> memref<65536xf32, #tpu.memory_space<hbm>>
    tpu.wait_dma2 semaphore(%dma_wait3A_282 : memref<!tpu.dma_semaphore, #tpu.memory_space<semaphore_mem>>) src(%dma_wait3A_286 : memref<65536xf32, #tpu.memory_space<hbm>>) dst(%dma_wait3A_285 : memref<65536xf32, #tpu.memory_space<vmem>>)
    %add3A_287 = arith.constant 327680 : i32
    %add3A_288 = arith.addi %mul3A_2, %add3A_287 : i32
    %dma_start3A_289 = arith.constant 0 : i32
    %dma_start3A_290 = arith.constant 0 : i32
    %dma_start3A_291 = arith.constant 0 : i32
    %dma_start3A_292 = tpu.memref_slice %arg4[%dma_start3A_289, %dma_start3A_291] : memref<1x65536xf32, #tpu.memory_space<vmem>> -> memref<1x65536xf32, #tpu.memory_space<vmem>>
    %dma_start3A_293 = tpu.memref_squeeze %dma_start3A_292 : memref<1x65536xf32, #tpu.memory_space<vmem>> -> memref<65536xf32, #tpu.memory_space<vmem>>
    %dma_start3A_294 = tpu.memref_slice %arg3[%add3A_288] : memref<16777216xf32, #tpu.memory_space<hbm>> -> memref<65536xf32, #tpu.memory_space<hbm>>
    %dma_start3A_295 = tpu.memref_slice %arg6[%dma_start3A_290] : memref<1x!tpu.dma_semaphore, #tpu.memory_space<semaphore_mem>> -> memref<1x!tpu.dma_semaphore, #tpu.memory_space<semaphore_mem>>
    %dma_start3A_296 = tpu.memref_squeeze %dma_start3A_295 : memref<1x!tpu.dma_semaphore, #tpu.memory_space<semaphore_mem>> -> memref<!tpu.dma_semaphore, #tpu.memory_space<semaphore_mem>>
    %dma_start3A_297 = tpu.memref_slice %arg3[%add3A_288] : memref<16777216xf32, #tpu.memory_space<hbm>> -> memref<65536xf32, #tpu.memory_space<hbm>>
    %dma_start3A_298 = arith.constant 0 : i32
    %dma_start3A_299 = tpu.memref_slice %arg4[%dma_start3A_289, %dma_start3A_298] : memref<1x65536xf32, #tpu.memory_space<vmem>> -> memref<1x65536xf32, #tpu.memory_space<vmem>>
    %dma_start3A_300 = tpu.memref_squeeze %dma_start3A_299 : memref<1x65536xf32, #tpu.memory_space<vmem>> -> memref<65536xf32, #tpu.memory_space<vmem>>
    tpu.enqueue_dma source(%dma_start3A_300 : memref<65536xf32, #tpu.memory_space<vmem>>) target(%dma_start3A_297 : memref<65536xf32, #tpu.memory_space<hbm>>) target_semaphore(%dma_start3A_296 : memref<!tpu.dma_semaphore, #tpu.memory_space<semaphore_mem>>)
    %dma_wait3A_301 = arith.constant 0 : i32
    %dma_wait3A_302 = arith.constant 0 : i32
    %dma_wait3A_303 = arith.constant 0 : i32
    %dma_wait3A_304 = tpu.memref_slice %arg4[%dma_wait3A_301, %dma_wait3A_303] : memref<1x65536xf32, #tpu.memory_space<vmem>> -> memref<1x65536xf32, #tpu.memory_space<vmem>>
    %dma_wait3A_305 = tpu.memref_squeeze %dma_wait3A_304 : memref<1x65536xf32, #tpu.memory_space<vmem>> -> memref<65536xf32, #tpu.memory_space<vmem>>
    %dma_wait3A_306 = tpu.memref_slice %arg3[%add3A_288] : memref<16777216xf32, #tpu.memory_space<hbm>> -> memref<65536xf32, #tpu.memory_space<hbm>>
    %dma_wait3A_307 = tpu.memref_slice %arg6[%dma_wait3A_302] : memref<1x!tpu.dma_semaphore, #tpu.memory_space<semaphore_mem>> -> memref<1x!tpu.dma_semaphore, #tpu.memory_space<semaphore_mem>>
    %dma_wait3A_308 = tpu.memref_squeeze %dma_wait3A_307 : memref<1x!tpu.dma_semaphore, #tpu.memory_space<semaphore_mem>> -> memref<!tpu.dma_semaphore, #tpu.memory_space<semaphore_mem>>
    %dma_wait3A_309 = tpu.memref_slice %arg3[%add3A_288] : memref<16777216xf32, #tpu.memory_space<hbm>> -> memref<65536xf32, #tpu.memory_space<hbm>>
    %dma_wait3A_310 = arith.constant 0 : i32
    %dma_wait3A_311 = tpu.memref_slice %arg4[%dma_wait3A_301, %dma_wait3A_310] : memref<1x65536xf32, #tpu.memory_space<vmem>> -> memref<1x65536xf32, #tpu.memory_space<vmem>>
    %dma_wait3A_312 = tpu.memref_squeeze %dma_wait3A_311 : memref<1x65536xf32, #tpu.memory_space<vmem>> -> memref<65536xf32, #tpu.memory_space<vmem>>
    tpu.wait_dma2 semaphore(%dma_wait3A_308 : memref<!tpu.dma_semaphore, #tpu.memory_space<semaphore_mem>>) src(%dma_wait3A_312 : memref<65536xf32, #tpu.memory_space<vmem>>) dst(%dma_wait3A_309 : memref<65536xf32, #tpu.memory_space<hbm>>)
    %add3A_313 = arith.constant 393216 : i32
    %add3A_314 = arith.addi %mul3A_2, %add3A_313 : i32
    %dma_start3A_315 = arith.constant 0 : i32
    %dma_start3A_316 = arith.constant 0 : i32
    %dma_start3A_317 = arith.constant 0 : i32
    %dma_start3A_318 = tpu.memref_slice %arg4[%dma_start3A_315, %dma_start3A_317] : memref<1x65536xf32, #tpu.memory_space<vmem>> -> memref<1x65536xf32, #tpu.memory_space<vmem>>
    %dma_start3A_319 = tpu.memref_squeeze %dma_start3A_318 : memref<1x65536xf32, #tpu.memory_space<vmem>> -> memref<65536xf32, #tpu.memory_space<vmem>>
    %dma_start3A_320 = tpu.memref_slice %arg2[%add3A_314] : memref<16777216xf32, #tpu.memory_space<hbm>> -> memref<65536xf32, #tpu.memory_space<hbm>>
    %dma_start3A_321 = tpu.memref_slice %arg5[%dma_start3A_316] : memref<1x!tpu.dma_semaphore, #tpu.memory_space<semaphore_mem>> -> memref<1x!tpu.dma_semaphore, #tpu.memory_space<semaphore_mem>>
    %dma_start3A_322 = tpu.memref_squeeze %dma_start3A_321 : memref<1x!tpu.dma_semaphore, #tpu.memory_space<semaphore_mem>> -> memref<!tpu.dma_semaphore, #tpu.memory_space<semaphore_mem>>
    %dma_start3A_323 = arith.constant 0 : i32
    %dma_start3A_324 = tpu.memref_slice %arg4[%dma_start3A_315, %dma_start3A_323] : memref<1x65536xf32, #tpu.memory_space<vmem>> -> memref<1x65536xf32, #tpu.memory_space<vmem>>
    %dma_start3A_325 = tpu.memref_squeeze %dma_start3A_324 : memref<1x65536xf32, #tpu.memory_space<vmem>> -> memref<65536xf32, #tpu.memory_space<vmem>>
    %dma_start3A_326 = tpu.memref_slice %arg2[%add3A_314] : memref<16777216xf32, #tpu.memory_space<hbm>> -> memref<65536xf32, #tpu.memory_space<hbm>>
    tpu.enqueue_dma source(%dma_start3A_326 : memref<65536xf32, #tpu.memory_space<hbm>>) target(%dma_start3A_325 : memref<65536xf32, #tpu.memory_space<vmem>>) target_semaphore(%dma_start3A_322 : memref<!tpu.dma_semaphore, #tpu.memory_space<semaphore_mem>>)
    %dma_wait3A_327 = arith.constant 0 : i32
    %dma_wait3A_328 = arith.constant 0 : i32
    %dma_wait3A_329 = arith.constant 0 : i32
    %dma_wait3A_330 = tpu.memref_slice %arg4[%dma_wait3A_327, %dma_wait3A_329] : memref<1x65536xf32, #tpu.memory_space<vmem>> -> memref<1x65536xf32, #tpu.memory_space<vmem>>
    %dma_wait3A_331 = tpu.memref_squeeze %dma_wait3A_330 : memref<1x65536xf32, #tpu.memory_space<vmem>> -> memref<65536xf32, #tpu.memory_space<vmem>>
    %dma_wait3A_332 = tpu.memref_slice %arg2[%add3A_314] : memref<16777216xf32, #tpu.memory_space<hbm>> -> memref<65536xf32, #tpu.memory_space<hbm>>
    %dma_wait3A_333 = tpu.memref_slice %arg5[%dma_wait3A_328] : memref<1x!tpu.dma_semaphore, #tpu.memory_space<semaphore_mem>> -> memref<1x!tpu.dma_semaphore, #tpu.memory_space<semaphore_mem>>
    %dma_wait3A_334 = tpu.memref_squeeze %dma_wait3A_333 : memref<1x!tpu.dma_semaphore, #tpu.memory_space<semaphore_mem>> -> memref<!tpu.dma_semaphore, #tpu.memory_space<semaphore_mem>>
    %dma_wait3A_335 = arith.constant 0 : i32
    %dma_wait3A_336 = tpu.memref_slice %arg4[%dma_wait3A_327, %dma_wait3A_335] : memref<1x65536xf32, #tpu.memory_space<vmem>> -> memref<1x65536xf32, #tpu.memory_space<vmem>>
    %dma_wait3A_337 = tpu.memref_squeeze %dma_wait3A_336 : memref<1x65536xf32, #tpu.memory_space<vmem>> -> memref<65536xf32, #tpu.memory_space<vmem>>
    %dma_wait3A_338 = tpu.memref_slice %arg2[%add3A_314] : memref<16777216xf32, #tpu.memory_space<hbm>> -> memref<65536xf32, #tpu.memory_space<hbm>>
    tpu.wait_dma2 semaphore(%dma_wait3A_334 : memref<!tpu.dma_semaphore, #tpu.memory_space<semaphore_mem>>) src(%dma_wait3A_338 : memref<65536xf32, #tpu.memory_space<hbm>>) dst(%dma_wait3A_337 : memref<65536xf32, #tpu.memory_space<vmem>>)
    %add3A_339 = arith.constant 393216 : i32
    %add3A_340 = arith.addi %mul3A_2, %add3A_339 : i32
    %dma_start3A_341 = arith.constant 0 : i32
    %dma_start3A_342 = arith.constant 0 : i32
    %dma_start3A_343 = arith.constant 0 : i32
    %dma_start3A_344 = tpu.memref_slice %arg4[%dma_start3A_341, %dma_start3A_343] : memref<1x65536xf32, #tpu.memory_space<vmem>> -> memref<1x65536xf32, #tpu.memory_space<vmem>>
    %dma_start3A_345 = tpu.memref_squeeze %dma_start3A_344 : memref<1x65536xf32, #tpu.memory_space<vmem>> -> memref<65536xf32, #tpu.memory_space<vmem>>
    %dma_start3A_346 = tpu.memref_slice %arg3[%add3A_340] : memref<16777216xf32, #tpu.memory_space<hbm>> -> memref<65536xf32, #tpu.memory_space<hbm>>
    %dma_start3A_347 = tpu.memref_slice %arg6[%dma_start3A_342] : memref<1x!tpu.dma_semaphore, #tpu.memory_space<semaphore_mem>> -> memref<1x!tpu.dma_semaphore, #tpu.memory_space<semaphore_mem>>
    %dma_start3A_348 = tpu.memref_squeeze %dma_start3A_347 : memref<1x!tpu.dma_semaphore, #tpu.memory_space<semaphore_mem>> -> memref<!tpu.dma_semaphore, #tpu.memory_space<semaphore_mem>>
    %dma_start3A_349 = tpu.memref_slice %arg3[%add3A_340] : memref<16777216xf32, #tpu.memory_space<hbm>> -> memref<65536xf32, #tpu.memory_space<hbm>>
    %dma_start3A_350 = arith.constant 0 : i32
    %dma_start3A_351 = tpu.memref_slice %arg4[%dma_start3A_341, %dma_start3A_350] : memref<1x65536xf32, #tpu.memory_space<vmem>> -> memref<1x65536xf32, #tpu.memory_space<vmem>>
    %dma_start3A_352 = tpu.memref_squeeze %dma_start3A_351 : memref<1x65536xf32, #tpu.memory_space<vmem>> -> memref<65536xf32, #tpu.memory_space<vmem>>
    tpu.enqueue_dma source(%dma_start3A_352 : memref<65536xf32, #tpu.memory_space<vmem>>) target(%dma_start3A_349 : memref<65536xf32, #tpu.memory_space<hbm>>) target_semaphore(%dma_start3A_348 : memref<!tpu.dma_semaphore, #tpu.memory_space<semaphore_mem>>)
    %dma_wait3A_353 = arith.constant 0 : i32
    %dma_wait3A_354 = arith.constant 0 : i32
    %dma_wait3A_355 = arith.constant 0 : i32
    %dma_wait3A_356 = tpu.memref_slice %arg4[%dma_wait3A_353, %dma_wait3A_355] : memref<1x65536xf32, #tpu.memory_space<vmem>> -> memref<1x65536xf32, #tpu.memory_space<vmem>>
    %dma_wait3A_357 = tpu.memref_squeeze %dma_wait3A_356 : memref<1x65536xf32, #tpu.memory_space<vmem>> -> memref<65536xf32, #tpu.memory_space<vmem>>
    %dma_wait3A_358 = tpu.memref_slice %arg3[%add3A_340] : memref<16777216xf32, #tpu.memory_space<hbm>> -> memref<65536xf32, #tpu.memory_space<hbm>>
    %dma_wait3A_359 = tpu.memref_slice %arg6[%dma_wait3A_354] : memref<1x!tpu.dma_semaphore, #tpu.memory_space<semaphore_mem>> -> memref<1x!tpu.dma_semaphore, #tpu.memory_space<semaphore_mem>>
    %dma_wait3A_360 = tpu.memref_squeeze %dma_wait3A_359 : memref<1x!tpu.dma_semaphore, #tpu.memory_space<semaphore_mem>> -> memref<!tpu.dma_semaphore, #tpu.memory_space<semaphore_mem>>
    %dma_wait3A_361 = tpu.memref_slice %arg3[%add3A_340] : memref<16777216xf32, #tpu.memory_space<hbm>> -> memref<65536xf32, #tpu.memory_space<hbm>>
    %dma_wait3A_362 = arith.constant 0 : i32
    %dma_wait3A_363 = tpu.memref_slice %arg4[%dma_wait3A_353, %dma_wait3A_362] : memref<1x65536xf32, #tpu.memory_space<vmem>> -> memref<1x65536xf32, #tpu.memory_space<vmem>>
    %dma_wait3A_364 = tpu.memref_squeeze %dma_wait3A_363 : memref<1x65536xf32, #tpu.memory_space<vmem>> -> memref<65536xf32, #tpu.memory_space<vmem>>
    tpu.wait_dma2 semaphore(%dma_wait3A_360 : memref<!tpu.dma_semaphore, #tpu.memory_space<semaphore_mem>>) src(%dma_wait3A_364 : memref<65536xf32, #tpu.memory_space<vmem>>) dst(%dma_wait3A_361 : memref<65536xf32, #tpu.memory_space<hbm>>)
    %add3A_365 = arith.constant 458752 : i32
    %add3A_366 = arith.addi %mul3A_2, %add3A_365 : i32
    %dma_start3A_367 = arith.constant 0 : i32
    %dma_start3A_368 = arith.constant 0 : i32
    %dma_start3A_369 = arith.constant 0 : i32
    %dma_start3A_370 = tpu.memref_slice %arg4[%dma_start3A_367, %dma_start3A_369] : memref<1x65536xf32, #tpu.memory_space<vmem>> -> memref<1x65536xf32, #tpu.memory_space<vmem>>
    %dma_start3A_371 = tpu.memref_squeeze %dma_start3A_370 : memref<1x65536xf32, #tpu.memory_space<vmem>> -> memref<65536xf32, #tpu.memory_space<vmem>>
    %dma_start3A_372 = tpu.memref_slice %arg2[%add3A_366] : memref<16777216xf32, #tpu.memory_space<hbm>> -> memref<65536xf32, #tpu.memory_space<hbm>>
    %dma_start3A_373 = tpu.memref_slice %arg5[%dma_start3A_368] : memref<1x!tpu.dma_semaphore, #tpu.memory_space<semaphore_mem>> -> memref<1x!tpu.dma_semaphore, #tpu.memory_space<semaphore_mem>>
    %dma_start3A_374 = tpu.memref_squeeze %dma_start3A_373 : memref<1x!tpu.dma_semaphore, #tpu.memory_space<semaphore_mem>> -> memref<!tpu.dma_semaphore, #tpu.memory_space<semaphore_mem>>
    %dma_start3A_375 = arith.constant 0 : i32
    %dma_start3A_376 = tpu.memref_slice %arg4[%dma_start3A_367, %dma_start3A_375] : memref<1x65536xf32, #tpu.memory_space<vmem>> -> memref<1x65536xf32, #tpu.memory_space<vmem>>
    %dma_start3A_377 = tpu.memref_squeeze %dma_start3A_376 : memref<1x65536xf32, #tpu.memory_space<vmem>> -> memref<65536xf32, #tpu.memory_space<vmem>>
    %dma_start3A_378 = tpu.memref_slice %arg2[%add3A_366] : memref<16777216xf32, #tpu.memory_space<hbm>> -> memref<65536xf32, #tpu.memory_space<hbm>>
    tpu.enqueue_dma source(%dma_start3A_378 : memref<65536xf32, #tpu.memory_space<hbm>>) target(%dma_start3A_377 : memref<65536xf32, #tpu.memory_space<vmem>>) target_semaphore(%dma_start3A_374 : memref<!tpu.dma_semaphore, #tpu.memory_space<semaphore_mem>>)
    %dma_wait3A_379 = arith.constant 0 : i32
    %dma_wait3A_380 = arith.constant 0 : i32
    %dma_wait3A_381 = arith.constant 0 : i32
    %dma_wait3A_382 = tpu.memref_slice %arg4[%dma_wait3A_379, %dma_wait3A_381] : memref<1x65536xf32, #tpu.memory_space<vmem>> -> memref<1x65536xf32, #tpu.memory_space<vmem>>
    %dma_wait3A_383 = tpu.memref_squeeze %dma_wait3A_382 : memref<1x65536xf32, #tpu.memory_space<vmem>> -> memref<65536xf32, #tpu.memory_space<vmem>>
    %dma_wait3A_384 = tpu.memref_slice %arg2[%add3A_366] : memref<16777216xf32, #tpu.memory_space<hbm>> -> memref<65536xf32, #tpu.memory_space<hbm>>
    %dma_wait3A_385 = tpu.memref_slice %arg5[%dma_wait3A_380] : memref<1x!tpu.dma_semaphore, #tpu.memory_space<semaphore_mem>> -> memref<1x!tpu.dma_semaphore, #tpu.memory_space<semaphore_mem>>
    %dma_wait3A_386 = tpu.memref_squeeze %dma_wait3A_385 : memref<1x!tpu.dma_semaphore, #tpu.memory_space<semaphore_mem>> -> memref<!tpu.dma_semaphore, #tpu.memory_space<semaphore_mem>>
    %dma_wait3A_387 = arith.constant 0 : i32
    %dma_wait3A_388 = tpu.memref_slice %arg4[%dma_wait3A_379, %dma_wait3A_387] : memref<1x65536xf32, #tpu.memory_space<vmem>> -> memref<1x65536xf32, #tpu.memory_space<vmem>>
    %dma_wait3A_389 = tpu.memref_squeeze %dma_wait3A_388 : memref<1x65536xf32, #tpu.memory_space<vmem>> -> memref<65536xf32, #tpu.memory_space<vmem>>
    %dma_wait3A_390 = tpu.memref_slice %arg2[%add3A_366] : memref<16777216xf32, #tpu.memory_space<hbm>> -> memref<65536xf32, #tpu.memory_space<hbm>>
    tpu.wait_dma2 semaphore(%dma_wait3A_386 : memref<!tpu.dma_semaphore, #tpu.memory_space<semaphore_mem>>) src(%dma_wait3A_390 : memref<65536xf32, #tpu.memory_space<hbm>>) dst(%dma_wait3A_389 : memref<65536xf32, #tpu.memory_space<vmem>>)
    %add3A_391 = arith.constant 458752 : i32
    %add3A_392 = arith.addi %mul3A_2, %add3A_391 : i32
    %dma_start3A_393 = arith.constant 0 : i32
    %dma_start3A_394 = arith.constant 0 : i32
    %dma_start3A_395 = arith.constant 0 : i32
    %dma_start3A_396 = tpu.memref_slice %arg4[%dma_start3A_393, %dma_start3A_395] : memref<1x65536xf32, #tpu.memory_space<vmem>> -> memref<1x65536xf32, #tpu.memory_space<vmem>>
    %dma_start3A_397 = tpu.memref_squeeze %dma_start3A_396 : memref<1x65536xf32, #tpu.memory_space<vmem>> -> memref<65536xf32, #tpu.memory_space<vmem>>
    %dma_start3A_398 = tpu.memref_slice %arg3[%add3A_392] : memref<16777216xf32, #tpu.memory_space<hbm>> -> memref<65536xf32, #tpu.memory_space<hbm>>
    %dma_start3A_399 = tpu.memref_slice %arg6[%dma_start3A_394] : memref<1x!tpu.dma_semaphore, #tpu.memory_space<semaphore_mem>> -> memref<1x!tpu.dma_semaphore, #tpu.memory_space<semaphore_mem>>
    %dma_start3A_400 = tpu.memref_squeeze %dma_start3A_399 : memref<1x!tpu.dma_semaphore, #tpu.memory_space<semaphore_mem>> -> memref<!tpu.dma_semaphore, #tpu.memory_space<semaphore_mem>>
    %dma_start3A_401 = tpu.memref_slice %arg3[%add3A_392] : memref<16777216xf32, #tpu.memory_space<hbm>> -> memref<65536xf32, #tpu.memory_space<hbm>>
    %dma_start3A_402 = arith.constant 0 : i32
    %dma_start3A_403 = tpu.memref_slice %arg4[%dma_start3A_393, %dma_start3A_402] : memref<1x65536xf32, #tpu.memory_space<vmem>> -> memref<1x65536xf32, #tpu.memory_space<vmem>>
    %dma_start3A_404 = tpu.memref_squeeze %dma_start3A_403 : memref<1x65536xf32, #tpu.memory_space<vmem>> -> memref<65536xf32, #tpu.memory_space<vmem>>
    tpu.enqueue_dma source(%dma_start3A_404 : memref<65536xf32, #tpu.memory_space<vmem>>) target(%dma_start3A_401 : memref<65536xf32, #tpu.memory_space<hbm>>) target_semaphore(%dma_start3A_400 : memref<!tpu.dma_semaphore, #tpu.memory_space<semaphore_mem>>)
    %dma_wait3A_405 = arith.constant 0 : i32
    %dma_wait3A_406 = arith.constant 0 : i32
    %dma_wait3A_407 = arith.constant 0 : i32
    %dma_wait3A_408 = tpu.memref_slice %arg4[%dma_wait3A_405, %dma_wait3A_407] : memref<1x65536xf32, #tpu.memory_space<vmem>> -> memref<1x65536xf32, #tpu.memory_space<vmem>>
    %dma_wait3A_409 = tpu.memref_squeeze %dma_wait3A_408 : memref<1x65536xf32, #tpu.memory_space<vmem>> -> memref<65536xf32, #tpu.memory_space<vmem>>
    %dma_wait3A_410 = tpu.memref_slice %arg3[%add3A_392] : memref<16777216xf32, #tpu.memory_space<hbm>> -> memref<65536xf32, #tpu.memory_space<hbm>>
    %dma_wait3A_411 = tpu.memref_slice %arg6[%dma_wait3A_406] : memref<1x!tpu.dma_semaphore, #tpu.memory_space<semaphore_mem>> -> memref<1x!tpu.dma_semaphore, #tpu.memory_space<semaphore_mem>>
    %dma_wait3A_412 = tpu.memref_squeeze %dma_wait3A_411 : memref<1x!tpu.dma_semaphore, #tpu.memory_space<semaphore_mem>> -> memref<!tpu.dma_semaphore, #tpu.memory_space<semaphore_mem>>
    %dma_wait3A_413 = tpu.memref_slice %arg3[%add3A_392] : memref<16777216xf32, #tpu.memory_space<hbm>> -> memref<65536xf32, #tpu.memory_space<hbm>>
    %dma_wait3A_414 = arith.constant 0 : i32
    %dma_wait3A_415 = tpu.memref_slice %arg4[%dma_wait3A_405, %dma_wait3A_414] : memref<1x65536xf32, #tpu.memory_space<vmem>> -> memref<1x65536xf32, #tpu.memory_space<vmem>>
    %dma_wait3A_416 = tpu.memref_squeeze %dma_wait3A_415 : memref<1x65536xf32, #tpu.memory_space<vmem>> -> memref<65536xf32, #tpu.memory_space<vmem>>
    tpu.wait_dma2 semaphore(%dma_wait3A_412 : memref<!tpu.dma_semaphore, #tpu.memory_space<semaphore_mem>>) src(%dma_wait3A_416 : memref<65536xf32, #tpu.memory_space<vmem>>) dst(%dma_wait3A_413 : memref<65536xf32, #tpu.memory_space<hbm>>)
    return
  }
}

</mosaic_0001>

<sc_bundles>
// kernel: kernel.3.cloned.1.call-start
scs
__scs_entry_jumppad:
0x0: {  	(pc) =	sbr.rel $0x88, $3  }
0x1: {  	(tag) =	ssettag $0x0;
	lr =	simm.s32 $0x1  }
0x2: {  	[smem:$0x3FA0] =	sst lr;
	_ =	strace $0xD0000000  }
0x3: {  	_ = 	snop  }
0x4: {  	_ = 	snop  }
0x5: {  	_ = 	snop  }
0x6: {  	_ = 	snop  }
0x7: {  	_ = 	snop  }
__scs_overlays_trampoline_lowered:
0x8: {  	[smem:$0x3FAF] =	sst s0  }
0x9: {  	[smem:$0x3FB0] =	sst s1  }
0xa: {  	[smem:$0x3FB1] =	sst s2  }
0xb: {  	[smem:$0x3FB2] =	sst s3  }
0xc: {  	[smem:$0x3FB3] =	sst s4  }
0xd: {  	[smem:$0x3FB4] =	sst s5  }
0xe: {  	[smem:$0x3FB5] =	sst s6  }
0xf: {  	[smem:$0x3FB6] =	sst s7  }
0x10: {  	[smem:$0x3FB7] =	sst s8  }
0x11: {  	[smem:$0x3FB8] =	sst s9;
	s0 =	simm.s32 @!p0 $0x0  }
0x12: {  	s1 =	sld [smem:$0x3F9E];
	s0 =	simm.s32 @p0 $0x1  }
0x13: {  	[smem:$0x3FB9] =	sst s0;
	s0 =	simm.s32 @!p1 $0x0  }
0x14: {  	s2 =	sld [smem:$0x3F9D];
	s0 =	simm.s32 @p1 $0x1  }
0x15: {  	[smem:$0x3FBA] =	sst s0;
	s0 =	simm.s32 @!p2 $0x0  }
0x16: {  	s3 =	sld [smem:$0x3FDB];
	s0 =	simm.s32 @p2 $0x1  }
0x17: {  	s4 =	simm.s32 $0x1BF5;
	[smem:$0x3FBC] =	sst s0  }
0x18: {  	s0 =	sld [smem:$0x3F9F];
	_ =	swait.ge [sflag:s4], $0x0  }
0x19: {  	s7 =	sld [smem:$0x3FA0]  }
0x1a: {  	s8 =	sadd.s32 $0xFFFFE003, lr  }
0x1b: {  	s9 =	sadd.s32 $0xFFFFFEF7, lr;
	s5 =	simm.s32 $0xFFFFFFFF;
	p2 =	slt.u32 s8, $0xFFFFF086  }
0x1c: {  	p1 =	slt.u32 s9, $0xF7A;
	s5 =	simm.s32 @!p2 $0x0  }
0x1d: {  	s5 =	simm.s32 @p1 $0x1;
	p0 =	seq.s32 s7, s2  }
0x1e: {  	s7 =	smul.u32 @!p0 $0xF7A, s2;
	p2 =	seq.s32 @!p0 s5, $0x0  }
0x1f: {  	s9 =	smul.u32 $0xF7A, s1;
	s8 =	simm.s32 @!p0 $0x1BF5;
	p2 =	por !p2, p0  }
0x20: {  	[sflag:s8] =	ssyncset.s32 @!p0 $0xFFFFF086;
	s6 =	sadd.s32 @!p0 s3, s7;
	s7 =	simm.s32 @!p0 $0x108  }
0x21: {  	s3 =	sadd.s32 s3, s9;
	s6 =	sadd.s32 @!p0 $0x88, s6;
	s7 =	simm.s32 @p2 $0x1082  }
0x22: {  	[simem:s7], [sflag:s8] =	dma.local @!p0 [hbm:s6], $0xF7A  }
0x23: {  	s9 =	sor.u32 $0xD0000000, s2;
	s6 =	simm.s32 $0x108;
	_ =	swait.ge @!p0 [sflag:s8], $0x0  }
0x24: {  	s3 =	sadd.s32 $0x88, s3;
	s6 =	simm.s32 @!p1 $0x1082;
	[sflag:s4] =	ssyncset.s32 $0xFFFFF086  }
0x25: {  	[simem:s6], [sflag:s4] =	dma.local [hbm:s3], $0xF7A  }
0x26: {  	[smem:$0x3FA0] =	sst s1;
	(tag) =	ssettag s2;
	_ =	strace s9  }
0x27: {  	s1 =	sld [smem:$0x3FB0]  }
0x28: {  	s2 =	sld [smem:$0x3FB1]  }
0x29: {  	s4 =	sld [smem:$0x3FB3]  }
0x2a: {  	p0 =	seq.s32 s5, $0x0;
	s5 =	sld [smem:$0x3FB4]  }
0x2b: {  	s6 =	sld [smem:$0x3FB5]  }
0x2c: {  	s7 =	sld [smem:$0x3FB6]  }
0x2d: {  	s3 =	simm.s32 $0x108;
	s8 =	sld [smem:$0x3FB7]  }
0x2e: {  	s3 =	simm.s32 @!p0 $0x1082;
	s9 =	sld [smem:$0x3FB8]  }
0x2f: {  	lr =	sadd.s32 s0, s3;
	s0 =	sld [smem:$0x3FAF]  }
0x30: {  	s3 =	sld [smem:$0x3FB2]  }
0x31: {  	[smem:$0x3FBB] =	sst s10  }
0x32: {  	s10 =	sld [smem:$0x3FB9];
	_ =	sdelay $0x3  }
0x33: {  	p0 =	seq.s32 s10, $0x1;
	s10 =	sld [smem:$0x3FBB];
	_ =	sdelay $0x3  }
0x34: {  	[smem:$0x3FBB] =	sst s10  }
0x35: {  	s10 =	sld [smem:$0x3FBA];
	_ =	sdelay $0x3  }
0x36: {  	p1 =	seq.s32 s10, $0x1;
	s10 =	sld [smem:$0x3FBB];
	_ =	sdelay $0x3  }
0x37: {  	[smem:$0x3FBB] =	sst s10  }
0x38: {  	s10 =	sld [smem:$0x3FBC]  }
0x39: {  	_ = 	snop;
	(pc) =	sbr.ind lr, $3  }
0x3a: {  	_ = 	snop  }
0x3b: {  	_ = 	snop  }
0x3c: {  	p2 =	seq.s32 s10, $0x1;
	s10 =	sld [smem:$0x3FBB]  }
0x3d: {  	_ =	shalt  }
0x3e: {  	_ =	shalt  }
0x3f: {  	_ =	shalt  }
0x40: {  	_ =	shalt  }
0x41: {  	_ =	shalt  }
0x42: {  	_ =	shalt  }
0x43: {  	_ =	shalt  }
0x44: {  	_ =	shalt  }
0x45: {  	_ =	shalt  }
0x46: {  	_ =	shalt  }
0x47: {  	_ =	shalt  }
0x48: {  	_ =	shalt  }
0x49: {  	_ =	shalt  }
0x4a: {  	_ =	shalt  }
0x4b: {  	_ =	shalt  }
0x4c: {  	_ =	shalt  }
0x4d: {  	_ =	shalt  }
0x4e: {  	_ =	shalt  }
0x4f: {  	_ =	shalt  }
0x50: {  	_ =	shalt  }
0x51: {  	_ =	shalt  }
0x52: {  	_ =	shalt  }
0x53: {  	_ =	shalt  }
0x54: {  	_ =	shalt  }
0x55: {  	_ =	shalt  }
0x56: {  	_ =	shalt  }
0x57: {  	_ =	shalt  }
0x58: {  	_ =	shalt  }
0x59: {  	_ =	shalt  }
0x5a: {  	_ =	shalt  }
0x5b: {  	_ =	shalt  }
0x5c: {  	_ =	shalt  }
0x5d: {  	_ =	shalt  }
0x5e: {  	_ =	shalt  }
0x5f: {  	_ =	shalt  }
0x60: {  	_ =	shalt  }
0x61: {  	_ =	shalt  }
0x62: {  	_ =	shalt  }
0x63: {  	_ =	shalt  }
0x64: {  	_ =	shalt  }
0x65: {  	_ =	shalt  }
0x66: {  	_ =	shalt  }
0x67: {  	_ =	shalt  }
0x68: {  	_ =	shalt  }
0x69: {  	_ =	shalt  }
0x6a: {  	_ =	shalt  }
0x6b: {  	_ =	shalt  }
0x6c: {  	_ =	shalt  }
0x6d: {  	_ =	shalt  }
0x6e: {  	_ =	shalt  }
0x6f: {  	_ =	shalt  }
0x70: {  	_ =	shalt  }
0x71: {  	_ =	shalt  }
0x72: {  	_ =	shalt  }
0x73: {  	_ =	shalt  }
0x74: {  	_ =	shalt  }
0x75: {  	_ =	shalt  }
0x76: {  	_ =	shalt  }
0x77: {  	_ =	shalt  }
0x78: {  	_ =	shalt  }
0x79: {  	_ =	shalt  }
0x7a: {  	_ =	shalt  }
0x7b: {  	_ =	shalt  }
0x7c: {  	_ =	shalt  }
0x7d: {  	_ =	shalt  }
0x7e: {  	_ =	shalt  }
0x7f: {  	_ =	shalt  }
0x80: {  	_ =	shalt  }
0x81: {  	_ =	shalt  }
0x82: {  	_ =	shalt  }
0x83: {  	_ =	shalt  }
0x84: {  	_ =	shalt  }
0x85: {  	_ =	shalt  }
0x86: {  	_ =	shalt  }
0x87: {  	_ =	shalt  }
.Lfunc_end0:
.L_simem_size_0:
called_computation.1_lowered:
.L_overlay_start_0:
0x88: {  	s2 =	sld [smem:$0x3FD9]  }
0x89: {  	s3 =	sld [smem:$0x3FFE];
	_ =	sdelay $0x1  }
0x8a: {  	s1 =	srdreg.scid  }
0x8b: {  	s0 =	sand.u32 $0x1, s1  }
0x8c: {  	s17 =	sshll.u32 s0, $0xA;
	s2 =	sadd.s32 s3, s2  }
0x8d: {  	s2 =	sadd.s32 s2, s17  }
0x8e: {  	[smem:$0x3FC7] =	sst s2  }
0x8f: {  	_ = 	snop  }
0x90: {  	s2 =	sld [smem:$0x3FD0];
	(tm) =	ssettm $0x1  }
0x91: {  	s18 =	sld [smem:$0x3FFB];
	_ =	sdelay $0x3  }
0x92: {  	_ =	strace s18  }
0x93: {  	s3 =	sld [smem:$0x3FFC];
	_ =	sdelay $0x3  }
0x94: {  	_ =	strace s3  }
0x95: {  	s3 =	sld [smem:$0x3FFD];
	_ =	sdelay $0x3  }
0x96: {  	_ =	strace s3  }
0x97: {  	_ =	strace $0x8FFFFFFF  }
0x98: {  	s19 =	sld [smem:$0x3FDB];
	_ =	sdelay $0x1  }
0x99: {  	s4 =	simm.s32 $_scs_section_size  }
0x9a: {  	s5 =	simm.s32 $_size__tile_overlayer_lowered;
	s6 =	simm.s32 $_tile_overlayer_lowered  }
0x9b: {  	s22 =	simm.s32 $0x1BFF;
	s21 =	sshll.u32 s6, $0x1;
	s3 =	sadd.s32 s4, s19  }
0x9c: {  	s7 =	simm.s32 $0x0;
	s20 =	sshll.u32 s5, $0x1;
	s5 =	sadd.s32 s21, s3  }
0x9d: {  	[timem:s7], [sflag:s22] =	dma.local [hbm:s5], s20  }
0x9e: {  	_ =	swait.ge [sflag:s22], s20  }
0x9f: {  	s4 =	ssub.s32 $0x0, s20;
	[sflag:s22] =	ssyncset.done $0x0  }
0xa0: {  	[sflag:s22] =	ssyncadd.s32 s4;
	_ =	sdelay $0x1  }
0xa1: {  	s23 =	simm.s32 $0x1B8B  }
0xa2: {  	_ =	swait.ge [sflag:s23], $0x1  }
0xa3: {  	[sflag:s23] =	ssyncset.done $0x0  }
0xa4: {  	s25 =	simm.s32 $0x1B8E;
	s24 =	sld [smem:$0x3FFE];
	[sflag:s23] =	ssyncadd.s32 $0xFFFFFFFF  }
0xa5: {  	s26 =	simm.s32 $execute0_lowered;
	[smem:$0x3FD2] =	sst s25  }
0xa6: {  	s5 =	sshll.u32 s26, $0x1;
	_ =	strace $0x80000049;
	[dreg:$0x1] =	wrdreg $0xFFFFFFFF  }
0xa7: {  	s28 =	simm.s32 $_size_execute0_lowered;
	s3 =	sadd.s32 s3, s5;
	[dreg:$0x0] =	wrdreg $0x0  }
0xa8: {  	s5 =	sshll.u32 s28, $0x1;
	[dreg:$0x2] =	wrdreg s3  }
0xa9: {  	[dreg:$0x3] =	wrdreg s5  }
0xaa: {  	[dreg:$0x4] =	wrdreg $0xC0  }
0xab: {  	_ =	task [dreg:s7], $0x5FFFF  }
0xac: {  	[dreg:$0x1] =	wrdreg $0xFFFFFFFF  }
0xad: {  	[dreg:$0x0] =	wrdreg $0x60  }
0xae: {  	[dreg:$0x2] =	wrdreg s2  }
0xaf: {  	[dreg:$0x3] =	wrdreg s24  }
0xb0: {  	[dreg:$0x4] =	wrdreg $0x9  }
0xb1: {  	_ =	task.clear_ibuf [dreg:s7], $0x5FFFF;
	_ =	strace $0x90000049  }
0xb2: {  	s29 =	simm.s32 $0x9;
	_ =	strace $0x8000004B  }
0xb3: {  	_ =	swait.ge [sflag:s29], $0x1  }
0xb4: {  	[sflag:s29] =	ssyncadd.s32 $0xFFFFFFFF  }
0xb5: {  	_ =	strace $0x9000004B  }
0xb6: {  	_ =	sfence  }
0xb7: {  	s30 =	sld [smem:$0x0];
	_ =	sdelay $0x2  }
0xb8: {  	s31 =	sshll.u32 s1, $0xD;
	s1 =	sshrl.u32 s1, $0x2  }
0xb9: {  	s3 =	sand.u32 $0x4000, s31;
	s1 =	sadd.s32 s1, s30  }
0xba: {  	s0 =	sor.u32 s3, s0;
	s1 =	sshll.u32 s1, $0x11  }
0xbb: {  	s0 =	sor.u32 s1, s0  }
0xbc: {  	s0 =	sadd.s32 $0x8F2B, s0  }
0xbd: {  	[sflag:s0] =	ssyncadd.remote.s32 $0x1  }
0xbe: {  	_ =	sfence.sel $0xFFFF  }
0xbf: {  	[dreg:$0x0] =	wrdreg $0xFFFFFFFF;
	(pc) =	sbr.abs _section_cstart, $3  }
0xc0: {  	[dreg:$0x1] =	wrdreg $0xFFFFFFFF  }
0xc1: {  	_ =	task.clear_ibuf [dreg:s7], $0x2FFFF;
	_ =	strace $0x9FFFFFFF  }
0xc2: {  	(tm) =	ssettm $0x7FFFFFFF  }
0xc3: {  	_ =	shalt  }
tec
execute0_lowered:
.L_overlay_start_1:
0x0: {  	(tag) =	ssettag $0x1  }
0x1: {  	s19 =	rddreg [dreg:$0x0]  }
0x2: {  	s5 =	rddreg [dreg:$0x1];
	s2 =	srdreg.scid  }
0x3: {  	s0 =	rddreg [dreg:$0x2];
	s1 =	stileid.u32;
	s20 =	sand.u32 $0x1, s2  }
0x4: {  	s2 =	simm.s32 $0x0;
	s3 =	sshll.u32 s1, $0x11;
	s4 =	sshll.u32 s20, $0x10  }
0x5: {  	[smem:$0x7FF] =	sst s2;
	s22 =	sor.u32 s4, s3  }
0x6: {  	_ =	strace $0x8000004A;
	s4 =	simm.s32 $0x1;
	s3 =	sadd.s32 s19, s22  }
0x7: {  	[tilespmem:s2], [sflag:$0x1] =	stream.linear.gather [hbm4b:s3+s2], $0x10000, $0x38;
	[tilespmem:$0x10000] =	vst v63  }
0x8: {  	_ =	swait.ge [sflag:s4], $0x10000  }
0x9: {  	s21 =	sadd.s32 $0x800, s5;
	[sflag:s4] =	ssyncset.done $0x0  }
0xa: {  	s5 =	simm.s32 $0x2;
	s6 =	sadd.s32 s21, s22;
	[sflag:s4] =	ssyncadd.s32 $0xFFFF0000  }
0xb: {  	[hbm4b:s6+s2] =	stream.linear.scatter [tilespmem:s2], [sflag:$0x2], $0x10000, $0x38;
	[tilespmem:$0x10000] =	vst v63  }
0xc: {  	_ =	swait.ge [sflag:s5], $0x10000  }
0xd: {  	s8 =	sor.u32 $0x2000, s22;
	[sflag:s5] =	ssyncset.done $0x0  }
0xe: {  	s7 =	sadd.s32 s19, s8;
	[sflag:s5] =	ssyncadd.s32 $0xFFFF0000  }
0xf: {  	[tilespmem:s2], [sflag:$0x1] =	stream.linear.gather [hbm4b:s7+s2], $0x10000, $0x38;
	[tilespmem:$0x10000] =	vst v63  }
0x10: {  	_ =	swait.ge [sflag:s4], $0x10000  }
0x11: {  	[sflag:s4] =	ssyncset.done $0x0  }
0x12: {  	s8 =	sadd.s32 s21, s8;
	[sflag:s4] =	ssyncadd.s32 $0xFFFF0000  }
0x13: {  	[hbm4b:s8+s2] =	stream.linear.scatter [tilespmem:s2], [sflag:$0x2], $0x10000, $0x38;
	[tilespmem:$0x10000] =	vst v63  }
0x14: {  	_ =	swait.ge [sflag:s5], $0x10000  }
0x15: {  	s10 =	sor.u32 $0x4000, s22;
	[sflag:s5] =	ssyncset.done $0x0  }
0x16: {  	s9 =	sadd.s32 s19, s10;
	[sflag:s5] =	ssyncadd.s32 $0xFFFF0000  }
0x17: {  	[tilespmem:s2], [sflag:$0x1] =	stream.linear.gather [hbm4b:s9+s2], $0x10000, $0x38;
	[tilespmem:$0x10000] =	vst v63  }
0x18: {  	_ =	swait.ge [sflag:s4], $0x10000  }
0x19: {  	[sflag:s4] =	ssyncset.done $0x0  }
0x1a: {  	s10 =	sadd.s32 s21, s10;
	[sflag:s4] =	ssyncadd.s32 $0xFFFF0000  }
0x1b: {  	[hbm4b:s10+s2] =	stream.linear.scatter [tilespmem:s2], [sflag:$0x2], $0x10000, $0x38;
	[tilespmem:$0x10000] =	vst v63  }
0x1c: {  	_ =	swait.ge [sflag:s5], $0x10000  }
0x1d: {  	s12 =	sor.u32 $0x6000, s22;
	[sflag:s5] =	ssyncset.done $0x0  }
0x1e: {  	s11 =	sadd.s32 s19, s12;
	[sflag:s5] =	ssyncadd.s32 $0xFFFF0000  }
0x1f: {  	[tilespmem:s2], [sflag:$0x1] =	stream.linear.gather [hbm4b:s11+s2], $0x10000, $0x38;
	[tilespmem:$0x10000] =	vst v63  }
0x20: {  	_ =	swait.ge [sflag:s4], $0x10000  }
0x21: {  	[sflag:s4] =	ssyncset.done $0x0  }
0x22: {  	s12 =	sadd.s32 s21, s12;
	[sflag:s4] =	ssyncadd.s32 $0xFFFF0000  }
0x23: {  	[hbm4b:s12+s2] =	stream.linear.scatter [tilespmem:s2], [sflag:$0x2], $0x10000, $0x38;
	[tilespmem:$0x10000] =	vst v63  }
0x24: {  	_ =	swait.ge [sflag:s5], $0x10000  }
0x25: {  	s14 =	sor.u32 $0x8000, s22;
	[sflag:s5] =	ssyncset.done $0x0  }
0x26: {  	s13 =	sadd.s32 s19, s14;
	[sflag:s5] =	ssyncadd.s32 $0xFFFF0000  }
0x27: {  	[tilespmem:s2], [sflag:$0x1] =	stream.linear.gather [hbm4b:s13+s2], $0x10000, $0x38;
	[tilespmem:$0x10000] =	vst v63  }
0x28: {  	_ =	swait.ge [sflag:s4], $0x10000  }
0x29: {  	[sflag:s4] =	ssyncset.done $0x0  }
0x2a: {  	s14 =	sadd.s32 s21, s14;
	[sflag:s4] =	ssyncadd.s32 $0xFFFF0000  }
0x2b: {  	[hbm4b:s14+s2] =	stream.linear.scatter [tilespmem:s2], [sflag:$0x2], $0x10000, $0x38;
	[tilespmem:$0x10000] =	vst v63  }
0x2c: {  	_ =	swait.ge [sflag:s5], $0x10000  }
0x2d: {  	s16 =	sor.u32 $0xA000, s22;
	[sflag:s5] =	ssyncset.done $0x0  }
0x2e: {  	s15 =	sadd.s32 s19, s16;
	[sflag:s5] =	ssyncadd.s32 $0xFFFF0000  }
0x2f: {  	[tilespmem:s2], [sflag:$0x1] =	stream.linear.gather [hbm4b:s15+s2], $0x10000, $0x38;
	[tilespmem:$0x10000] =	vst v63  }
0x30: {  	_ =	swait.ge [sflag:s4], $0x10000  }
0x31: {  	[sflag:s4] =	ssyncset.done $0x0  }
0x32: {  	s16 =	sadd.s32 s21, s16;
	[sflag:s4] =	ssyncadd.s32 $0xFFFF0000  }
0x33: {  	[hbm4b:s16+s2] =	stream.linear.scatter [tilespmem:s2], [sflag:$0x2], $0x10000, $0x38;
	[tilespmem:$0x10000] =	vst v63  }
0x34: {  	_ =	swait.ge [sflag:s5], $0x10000  }
0x35: {  	s18 =	sor.u32 $0xC000, s22;
	[sflag:s5] =	ssyncset.done $0x0  }
0x36: {  	s17 =	sadd.s32 s19, s18;
	[sflag:s5] =	ssyncadd.s32 $0xFFFF0000  }
0x37: {  	[tilespmem:s2], [sflag:$0x1] =	stream.linear.gather [hbm4b:s17+s2], $0x10000, $0x38;
	[tilespmem:$0x10000] =	vst v63  }
0x38: {  	_ =	swait.ge [sflag:s4], $0x10000  }
0x39: {  	[sflag:s4] =	ssyncset.done $0x0  }
0x3a: {  	s20 =	ssub.s32 $0x2, s20;
	s18 =	sadd.s32 s21, s18;
	[sflag:s4] =	ssyncadd.s32 $0xFFFF0000  }
0x3b: {  	[hbm4b:s18+s2] =	stream.linear.scatter [tilespmem:s2], [sflag:$0x2], $0x10000, $0x38;
	[tilespmem:$0x10000] =	vst v63  }
0x3c: {  	s23 =	sshrl.u32 s20, $0x1;
	_ =	swait.ge [sflag:s5], $0x10000  }
0x3d: {  	s22 =	sor.u32 $0xE000, s22;
	s23 =	ssub.s32 s20, s23;
	[sflag:s5] =	ssyncset.done $0x0  }
0x3e: {  	s19 =	sadd.s32 s19, s22;
	s31 =	smax.u32 s23, $0x1;
	[sflag:s5] =	ssyncadd.s32 $0xFFFF0000  }
0x3f: {  	[tilespmem:s2], [sflag:$0x1] =	stream.linear.gather [hbm4b:s19+s2], $0x10000, $0x38;
	[tilespmem:$0x10000] =	vst v63  }
0x40: {  	p0 =	sne.s32 s31, $0x1;
	_ =	swait.ge [sflag:s4], $0x10000  }
.Ltmp0:
0x41: {  	[sflag:s4] =	ssyncset.done $0x0;
	(pc) =	sbr.rel @!p0 .LBB2_2-.Ltmp0, $4  }
0x42: {  	s20 =	sadd.s32 s21, s22;
	[sflag:s4] =	ssyncadd.s32 $0xFFFF0000  }
0x43: {  	[hbm4b:s20+s2] =	stream.linear.scatter [tilespmem:s2], [sflag:$0x2], $0x10000, $0x38;
	[tilespmem:$0x10000] =	vst v63  }
0x44: {  	_ =	swait.ge [sflag:s5], $0x10000  }
0x45: {  	s21 =	sadd.s32 $0xFFFFFFFF, s31;
	[sflag:s5] =	ssyncset.done $0x0  }
.LBB2_1:
0x46: {  	p0 =	sne.s32 s21, $0x1;
	s21 =	sadd.s32 $0xFFFFFFFF, s21;
	[sflag:s5] =	ssyncadd.s32 $0xFFFF0000  }
0x47: {  	[tilespmem:s2], [sflag:$0x1] =	stream.linear.gather [hbm4b:s3+s2], $0x10000, $0x38;
	[tilespmem:$0x10000] =	vst v63  }
0x48: {  	_ =	swait.ge [sflag:s4], $0x10000  }
0x49: {  	[sflag:s4] =	ssyncset.done $0x0  }
0x4a: {  	[sflag:s4] =	ssyncadd.s32 $0xFFFF0000  }
0x4b: {  	[hbm4b:s6+s2] =	stream.linear.scatter [tilespmem:s2], [sflag:$0x2], $0x10000, $0x38;
	[tilespmem:$0x10000] =	vst v63  }
0x4c: {  	_ =	swait.ge [sflag:s5], $0x10000  }
0x4d: {  	[sflag:s5] =	ssyncset.done $0x0  }
0x4e: {  	[sflag:s5] =	ssyncadd.s32 $0xFFFF0000  }
0x4f: {  	[tilespmem:s2], [sflag:$0x1] =	stream.linear.gather [hbm4b:s7+s2], $0x10000, $0x38;
	[tilespmem:$0x10000] =	vst v63  }
0x50: {  	_ =	swait.ge [sflag:s4], $0x10000  }
0x51: {  	[sflag:s4] =	ssyncset.done $0x0  }
0x52: {  	[sflag:s4] =	ssyncadd.s32 $0xFFFF0000  }
0x53: {  	[hbm4b:s8+s2] =	stream.linear.scatter [tilespmem:s2], [sflag:$0x2], $0x10000, $0x38;
	[tilespmem:$0x10000] =	vst v63  }
0x54: {  	_ =	swait.ge [sflag:s5], $0x10000  }
0x55: {  	[sflag:s5] =	ssyncset.done $0x0  }
0x56: {  	[sflag:s5] =	ssyncadd.s32 $0xFFFF0000  }
0x57: {  	[tilespmem:s2], [sflag:$0x1] =	stream.linear.gather [hbm4b:s9+s2], $0x10000, $0x38;
	[tilespmem:$0x10000] =	vst v63  }
0x58: {  	_ =	swait.ge [sflag:s4], $0x10000  }
0x59: {  	[sflag:s4] =	ssyncset.done $0x0  }
0x5a: {  	[sflag:s4] =	ssyncadd.s32 $0xFFFF0000  }
0x5b: {  	[hbm4b:s10+s2] =	stream.linear.scatter [tilespmem:s2], [sflag:$0x2], $0x10000, $0x38;
	[tilespmem:$0x10000] =	vst v63  }
0x5c: {  	_ =	swait.ge [sflag:s5], $0x10000  }
0x5d: {  	[sflag:s5] =	ssyncset.done $0x0  }
0x5e: {  	[sflag:s5] =	ssyncadd.s32 $0xFFFF0000  }
0x5f: {  	[tilespmem:s2], [sflag:$0x1] =	stream.linear.gather [hbm4b:s11+s2], $0x10000, $0x38;
	[tilespmem:$0x10000] =	vst v63  }
0x60: {  	_ =	swait.ge [sflag:s4], $0x10000  }
0x61: {  	[sflag:s4] =	ssyncset.done $0x0  }
0x62: {  	[sflag:s4] =	ssyncadd.s32 $0xFFFF0000  }
0x63: {  	[hbm4b:s12+s2] =	stream.linear.scatter [tilespmem:s2], [sflag:$0x2], $0x10000, $0x38;
	[tilespmem:$0x10000] =	vst v63  }
0x64: {  	_ =	swait.ge [sflag:s5], $0x10000  }
0x65: {  	[sflag:s5] =	ssyncset.done $0x0  }
0x66: {  	[sflag:s5] =	ssyncadd.s32 $0xFFFF0000  }
0x67: {  	[tilespmem:s2], [sflag:$0x1] =	stream.linear.gather [hbm4b:s13+s2], $0x10000, $0x38;
	[tilespmem:$0x10000] =	vst v63  }
0x68: {  	_ =	swait.ge [sflag:s4], $0x10000  }
0x69: {  	[sflag:s4] =	ssyncset.done $0x0  }
0x6a: {  	[sflag:s4] =	ssyncadd.s32 $0xFFFF0000  }
0x6b: {  	[hbm4b:s14+s2] =	stream.linear.scatter [tilespmem:s2], [sflag:$0x2], $0x10000, $0x38;
	[tilespmem:$0x10000] =	vst v63  }
0x6c: {  	_ =	swait.ge [sflag:s5], $0x10000  }
0x6d: {  	[sflag:s5] =	ssyncset.done $0x0  }
0x6e: {  	[sflag:s5] =	ssyncadd.s32 $0xFFFF0000  }
0x6f: {  	[tilespmem:s2], [sflag:$0x1] =	stream.linear.gather [hbm4b:s15+s2], $0x10000, $0x38;
	[tilespmem:$0x10000] =	vst v63  }
0x70: {  	_ =	swait.ge [sflag:s4], $0x10000  }
0x71: {  	[sflag:s4] =	ssyncset.done $0x0  }
0x72: {  	[sflag:s4] =	ssyncadd.s32 $0xFFFF0000  }
0x73: {  	[hbm4b:s16+s2] =	stream.linear.scatter [tilespmem:s2], [sflag:$0x2], $0x10000, $0x38;
	[tilespmem:$0x10000] =	vst v63  }
0x74: {  	_ =	swait.ge [sflag:s5], $0x10000  }
0x75: {  	[sflag:s5] =	ssyncset.done $0x0  }
0x76: {  	[sflag:s5] =	ssyncadd.s32 $0xFFFF0000  }
0x77: {  	[tilespmem:s2], [sflag:$0x1] =	stream.linear.gather [hbm4b:s17+s2], $0x10000, $0x38;
	[tilespmem:$0x10000] =	vst v63  }
0x78: {  	_ =	swait.ge [sflag:s4], $0x10000  }
0x79: {  	[sflag:s4] =	ssyncset.done $0x0  }
0x7a: {  	[sflag:s4] =	ssyncadd.s32 $0xFFFF0000  }
0x7b: {  	[hbm4b:s18+s2] =	stream.linear.scatter [tilespmem:s2], [sflag:$0x2], $0x10000, $0x38;
	[tilespmem:$0x10000] =	vst v63  }
0x7c: {  	_ =	swait.ge [sflag:s5], $0x10000  }
0x7d: {  	[sflag:s5] =	ssyncset.done $0x0  }
0x7e: {  	[sflag:s5] =	ssyncadd.s32 $0xFFFF0000  }
0x7f: {  	[tilespmem:s2], [sflag:$0x1] =	stream.linear.gather [hbm4b:s19+s2], $0x10000, $0x38;
	[tilespmem:$0x10000] =	vst v63  }
0x80: {  	_ =	swait.ge [sflag:s4], $0x10000  }
.Ltmp1:
0x81: {  	[sflag:s4] =	ssyncset.done $0x0;
	(pc) =	sbr.rel @p0 .LBB2_1-.Ltmp1, $4  }
0x82: {  	[sflag:s4] =	ssyncadd.s32 $0xFFFF0000  }
0x83: {  	[hbm4b:s20+s2] =	stream.linear.scatter [tilespmem:s2], [sflag:$0x2], $0x10000, $0x38;
	[tilespmem:$0x10000] =	vst v63  }
0x84: {  	_ =	swait.ge [sflag:s5], $0x10000  }
0x85: {  	[sflag:s5] =	ssyncset.done $0x0  }
.LBB2_2:
0x86: {  	[sflag:s5] =	ssyncadd.s32 $0xFFFF0000  }
0x87: {  	_ =	sfence.sel $0x180000  }
0x88: {  	[bflag:$0x0] =	sbarrier.arrive $0xFFFF  }
0x89: {  	p0 =	sne.s32 s1, $0x0;
	_ =	strace $0x9000004A  }
0x8a: {  	s0 =	sadd.s32 @!p0 $0x100000, s0;
	[bflag:$0x2] =	sbarrier.arrive $0xFFFF  }
0x8b: {  	[sflag:s0] =	ssyncadd.tile.s32 @!p0 $0x1;
	_ =	shalt  }
.Lfunc_end2:
_tile_overlayer_lowered:
.L_overlay_start_2:
0x8c: {  	(tag) =	ssettag $0x2  }
0x8d: {  	s0 =	rddreg [dreg:$0x0];
	s2 =	stileid.u32  }
0x8e: {  	s1 =	rddreg [dreg:$0x1];
	p0 =	sne.s32 s2, $0x0  }
0x8f: {  	s3 =	rddreg [dreg:$0x2];
	[bflag:$0x3] =	sbarrier.arrive $0xFFFF;
	s2 =	simm.s32 @!p0 $0x1C03  }
0x90: {  	[timem:s3], [sflag:s2] =	dma.local @!p0 [hbm:s0], s1  }
0x91: {  	s0 =	simm.s32 @!p0 $0x3  }
0x92: {  	_ =	swait.ge @!p0 [sflag:s0], s1  }
0x93: {  	s1 =	ssub.s32 @!p0 $0x0, s1;
	[sflag:s0] =	ssyncset.done @!p0 $0x0  }
0x94: {  	[sflag:s0] =	ssyncadd.s32 @!p0 s1  }
0x95: {  	[bflag:$0x3] =	sbarrier.arrive $0xFFFF  }
0x96: {  	_ =	shalt  }

// kernel: sparse-core-data-format-call.cloned.1.call-start
scs
called_computation_lowered:
.L_overlay_start_0:
0x0: {  	s2 =	sld [smem:$0x3FD9]  }
0x1: {  	s3 =	sld [smem:$0x3FFE];
	_ =	sdelay $0x1  }
0x2: {  	s1 =	srdreg.scid  }
0x3: {  	s0 =	sand.u32 $0x1, s1  }
0x4: {  	s19 =	sshll.u32 s0, $0xA;
	s2 =	sadd.s32 s3, s2  }
0x5: {  	s2 =	sadd.s32 s2, s19  }
0x6: {  	[smem:$0x3FC7] =	sst s2  }
0x7: {  	_ = 	snop  }
0x8: {  	s2 =	sld [smem:$0x3FC9]  }
0x9: {  	s20 =	sld [smem:$0x3FD0];
	(tm) =	ssettm $0x1  }
0xa: {  	s4 =	sld [smem:$0x3FFB];
	_ =	sdelay $0x3  }
0xb: {  	_ =	strace s4  }
0xc: {  	s4 =	sld [smem:$0x3FFC];
	_ =	sdelay $0x3  }
0xd: {  	_ =	strace s4  }
0xe: {  	s4 =	sld [smem:$0x3FFD];
	_ =	sdelay $0x3  }
0xf: {  	_ =	strace s4  }
0x10: {  	_ =	strace $0x8FFFFFFF  }
0x11: {  	s21 =	sld [smem:$0x3FDB];
	_ =	sdelay $0x1  }
0x12: {  	s5 =	simm.s32 $_scs_section_size  }
0x13: {  	s6 =	simm.s32 $_size__tile_overlayer_lowered;
	s7 =	simm.s32 $_tile_overlayer_lowered  }
0x14: {  	s24 =	simm.s32 $0x1BFF;
	s23 =	sshll.u32 s7, $0x1;
	s4 =	sadd.s32 s5, s21  }
0x15: {  	s8 =	simm.s32 $0x0;
	s22 =	sshll.u32 s6, $0x1;
	s6 =	sadd.s32 s23, s4  }
0x16: {  	[timem:s8], [sflag:s24] =	dma.local [hbm:s6], s22  }
0x17: {  	_ =	swait.ge [sflag:s24], s22  }
0x18: {  	s5 =	ssub.s32 $0x0, s22;
	[sflag:s24] =	ssyncset.done $0x0  }
0x19: {  	[sflag:s24] =	ssyncadd.s32 s5;
	_ =	sdelay $0x1  }
0x1a: {  	s25 =	simm.s32 $0x1B8B  }
0x1b: {  	_ =	swait.ge [sflag:s25], $0x1  }
0x1c: {  	[sflag:s25] =	ssyncset.done $0x0  }
0x1d: {  	s26 =	simm.s32 $0x1B8E;
	[sflag:s25] =	ssyncadd.s32 $0xFFFFFFFF  }
0x1e: {  	s27 =	simm.s32 $execute0_lowered;
	[smem:$0x3FD2] =	sst s26  }
0x1f: {  	s5 =	sshll.u32 s27, $0x1;
	_ =	strace $0x80000046;
	[dreg:$0x1] =	wrdreg $0xFFFFFFFF  }
0x20: {  	s28 =	simm.s32 $_size_execute0_lowered;
	s4 =	sadd.s32 s4, s5;
	[dreg:$0x0] =	wrdreg $0x0  }
0x21: {  	s5 =	sshll.u32 s28, $0x1;
	[dreg:$0x2] =	wrdreg s4  }
0x22: {  	[dreg:$0x3] =	wrdreg s5  }
0x23: {  	[dreg:$0x4] =	wrdreg $0xC0  }
0x24: {  	_ =	task [dreg:s8], $0x5FFFF  }
0x25: {  	[dreg:$0x1] =	wrdreg $0xFFFFFFFF  }
0x26: {  	[dreg:$0x0] =	wrdreg $0x60  }
0x27: {  	[dreg:$0x2] =	wrdreg s2  }
0x28: {  	[dreg:$0x3] =	wrdreg s20  }
0x29: {  	[dreg:$0x4] =	wrdreg $0x9  }
0x2a: {  	_ =	task.clear_ibuf [dreg:s8], $0x5FFFF;
	_ =	strace $0x90000046  }
0x2b: {  	s29 =	simm.s32 $0x9;
	_ =	strace $0x80000048  }
0x2c: {  	_ =	swait.ge [sflag:s29], $0x1  }
0x2d: {  	[sflag:s29] =	ssyncadd.s32 $0xFFFFFFFF  }
0x2e: {  	_ =	strace $0x90000048  }
0x2f: {  	_ =	sfence  }
0x30: {  	s30 =	sld [smem:$0x0];
	_ =	sdelay $0x2  }
0x31: {  	s31 =	sshll.u32 s1, $0xD;
	s1 =	sshrl.u32 s1, $0x2  }
0x32: {  	s3 =	sand.u32 $0x4000, s31;
	s1 =	sadd.s32 s1, s30  }
0x33: {  	s0 =	sor.u32 s3, s0;
	s1 =	sshll.u32 s1, $0x11  }
0x34: {  	s0 =	sor.u32 s1, s0  }
0x35: {  	s0 =	sadd.s32 $0x8F2B, s0  }
0x36: {  	[sflag:s0] =	ssyncadd.remote.s32 $0x1  }
0x37: {  	_ =	sfence.sel $0xFFFF  }
0x38: {  	[dreg:$0x0] =	wrdreg $0xFFFFFFFF;
	(pc) =	sbr.abs _section_cstart, $3  }
0x39: {  	[dreg:$0x1] =	wrdreg $0xFFFFFFFF  }
0x3a: {  	_ =	task.clear_ibuf [dreg:s8], $0x2FFFF;
	_ =	strace $0x9FFFFFFF  }
0x3b: {  	(tm) =	ssettm $0x7FFFFFFF  }
tec
execute0_lowered:
.L_overlay_start_1:
0x0: {  	(tag) =	ssettag $0x1  }
0x1: {  	s2 =	rddreg [dreg:$0x0]  }
0x2: {  	s3 =	rddreg [dreg:$0x1]  }
0x3: {  	s0 =	rddreg [dreg:$0x2];
	_ =	strace $0x80000047  }
0x4: {  	s4 =	srdreg.scid;
	s1 =	stileid.u32;
	s6 =	simm.s32 $0x2  }
.Ltmp0:
0x5: {  	s11 =	simm.s32 $0x0;
	p0 =	por $0x0, $0x0;
	(pc) =	sbr.rel .LBB1_1-.Ltmp0, $4  }
0x6: {  	s7 =	simm.s32 $0x1000;
	s12 =	simm.s32 $0x0;
	s5 =	sshll.u32 s4, $0x4  }
0x7: {  	s9 =	simm.s32 $0x0;
	s4 =	simm.s32 $0x1;
	s5 =	sand.u32 $0x10, s5  }
0x8: {  	s8 =	simm.s32 $0x0;
	[sflag:s4] =	ssyncpa.u1 $0x0;
	s5 =	sor.u32 s1, s5  }
0x9: {  	[sflag:s6] =	ssyncpa.u1 $0x0;
	s6 =	simm.s32 $0x800;
	s10 =	smov.u32 s5  }
.LBB1_7:
0xa: {  	s13 =	sadd.s32 $0x10, s9  }
0xb: {  	s11 =	sadd.s32 $0x20, s10;
	s15 =	smov.u32 s10;
	p2 =	sgt.s32 s13, $0x1F  }
0xc: {  	p1 =	slt.u32 s8, $0x2;
	s15 =	smov.u32 @p2 s11  }
0xd: {  	s8 =	sadd.s32 $0x1, s8;
	s13 =	simm.s32 @p2 $0x0;
	p2 =	sgt.s32 s15, $0x1FF  }
0xe: {  	s15 =	smov.u32 @p2 s5;
	p2 =	sne.s32 s8, $0x22  }
.Ltmp1:
0xf: {  	_ = 	snop;
	(pc) =	sbr.rel @!p2 .LBB1_8-.Ltmp1, $4  }
0x10: {  	s14 =	simm.s32 @!p1 $0x2  }
0x11: {  	s12 =	smov.u32 s10;
	_ =	swait.ge @!p1 [sflag:s14], $0x4000  }
0x12: {  	p0 =	por !p0, !p0;
	s11 =	smov.u32 s9;
	[sflag:s14] =	ssyncset.done @!p1 $0x0  }
0x13: {  	s9 =	smov.u32 s13;
	[sflag:s14] =	ssyncadd.s32 @!p1 $0xFFFFC000;
	s10 =	smov.u32 s15  }
.LBB1_1:
0x14: {  	p1 =	sgt.u32 s8, $0x1F  }
0x15: {  	s13 =	sxor.u32 @!p1 $0xFFFFFFFF, s8;
	s14 =	sshll.u32 @!p1 s10, $0xC  }
0x16: {  	s15 =	sshll.u32 @!p1 s9, $0x7;
	s13 =	sshll.u32 @!p1 s13, $0xE;
	s14 =	sadd.s32 @!p1 s2, s14  }
0x17: {  	s13 =	sand.u32 @!p1 $0x4000, s13;
	s14 =	sadd.s32 @!p1 s15, s14;
	s15 =	simm.s32 @!p1 $0x0  }
0x18: {  	[tilespmem:s13], [sflag:$0x1] =	stream.linear.gather @!p1 [hbm4b:s14+s15], $0x4000, $0x38;
	[tilespmem:$0x10000] =	vst v63  }
0x19: {  	p1 =	seq.s32 s8, $0x0  }
0x1a: {  	p2 =	seq.s32 @!p1 s8, $0x21  }
0x1b: {  	p1 =	por p1, p2  }
.Ltmp2:
0x1c: {  	_ = 	snop;
	(pc) =	sbr.rel @p1 .LBB1_7-.Ltmp2, $1  }
0x1d: {  	_ =	sdelay $0x3  }
0x1e: {  	s13 =	simm.s32 $0x1;
	_ =	swait.ge [sflag:s4], $0x4000;
	s16 =	sshll.u32 s8, $0xE  }
0x1f: {  	s13 =	simm.s32 @!p0 $0x0;
	[sflag:s4] =	ssyncset.done $0x0;
	s31 =	sand.u32 $0x4000, s16  }
0x20: {  	s16 =	simm.s32 $0x0;
	s14 =	sshll.u32 s13, $0xE;
	[sflag:s4] =	ssyncadd.s32 $0xFFFFC000  }
0x21: {  	s13 =	sor.u32 $0x8040, s14;
	s15 =	sor.u32 $0x40, s14;
	s14 =	sor.u32 $0x8000, s31  }
.LBB1_3:
0x22: {  	v0 =	vmov s15;
	_ =	sdelay $0x3  }
0x23: {  	s18 =	simm.s32 $0x0  }
0x24: {  	v6 =	vld.idx.msk [tilespmem:v0+s18+$0x30 ss:$0x1], $0xffff  }
0x25: {  	v7 =	vld.idx.msk [tilespmem:v0+s18+$0xFFFFFFC0 ss:$0x1], $0xffff  }
0x26: {  	v5 =	vld.idx.msk [tilespmem:v0+s18+$0xFFFFFFD0 ss:$0x1], $0xffff  }
0x27: {  	v4 =	vld.idx.msk [tilespmem:v0+s18+$0xFFFFFFE0 ss:$0x1], $0xffff  }
0x28: {  	v3 =	vld.idx.msk [tilespmem:v0+s18+$0xFFFFFFF0 ss:$0x1], $0xffff  }
0x29: {  	v1 =	vld.idx.msk [tilespmem:v0+s18+$0x0 ss:$0x1], $0xffff  }
0x2a: {  	v2 =	vld.idx.msk [tilespmem:v0+s18+$0x10 ss:$0x1], $0xffff;
	[tilespmem:s13+$0x30] =	vst v6  }
0x2b: {  	s17 =	simm.s32 $0x80;
	s19 =	simm.s32 $0x400;
	[tilespmem:s13+$0xFFFFFFC0] =	vst v7;
	v6 =	vld.idx.msk [tilespmem:v0+s18+$0x20 ss:$0x1], $0xffff;
	s18 =	smov.u32 s13  }
.LBB1_4:
0x2c: {  	p1 =	sne.s32 s19, $0xE00;
	v7 =	vld.idx.msk [tilespmem:v0+s17+$0x30 ss:$0x1], $0xffff;
	[tilespmem:s18+$0xFFFFFFD0] =	vst v5  }
0x2d: {  	v8 =	vld.idx.msk [tilespmem:v0+s17+$0xFFFFFFC0 ss:$0x1], $0xffff;
	[tilespmem:s18+$0xFFFFFFE0] =	vst v4  }
0x2e: {  	v5 =	vld.idx.msk [tilespmem:v0+s17+$0xFFFFFFD0 ss:$0x1], $0xffff;
	[tilespmem:s18+$0xFFFFFFF0] =	vst v3  }
.Ltmp3:
0x2f: {  	v4 =	vld.idx.msk [tilespmem:v0+s17+$0xFFFFFFE0 ss:$0x1], $0xffff;
	[tilespmem:s18+$0x0] =	vst v1;
	(pc) =	sbr.rel @p1 .LBB1_4-.Ltmp3, $4  }
0x30: {  	v3 =	vld.idx.msk [tilespmem:v0+s17+$0xFFFFFFF0 ss:$0x1], $0xffff;
	[tilespmem:s18+$0x10] =	vst v2  }
0x31: {  	v1 =	vld.idx.msk [tilespmem:v0+s17+$0x0 ss:$0x1], $0xffff;
	[tilespmem:s18+$0x20] =	vst v6;
	s18 =	sadd.s32 $0x800, s18  }
0x32: {  	v2 =	vld.idx.msk [tilespmem:v0+s17+$0x10 ss:$0x1], $0xffff;
	[tilespmem:s18+$0x30] =	vst v7  }
0x33: {  	[tilespmem:s18+$0xFFFFFFC0] =	vst v8;
	v6 =	vld.idx.msk [tilespmem:v0+s17+$0x20 ss:$0x1], $0xffff;
	s17 =	sshra.s32 s19, $0x2;
	s19 =	sadd.s32 $0x200, s19  }
0x34: {  	_ =	sdelay $0x2  }
0x35: {  	[tilespmem:s18+$0xFFFFFFD0] =	vst v5  }
0x36: {  	v56 =	vld.idx.msk [tilespmem:v0+s17+$0x30 ss:$0x1], $0xffff;
	[tilespmem:s18+$0xFFFFFFE0] =	vst v4  }
0x37: {  	v57 =	vld.idx.msk [tilespmem:v0+s17+$0xFFFFFFC0 ss:$0x1], $0xffff;
	[tilespmem:s18+$0xFFFFFFF0] =	vst v3  }
0x38: {  	v58 =	vld.idx.msk [tilespmem:v0+s17+$0xFFFFFFD0 ss:$0x1], $0xffff;
	[tilespmem:s18+$0x0] =	vst v1  }
0x39: {  	v59 =	vld.idx.msk [tilespmem:v0+s17+$0xFFFFFFE0 ss:$0x1], $0xffff;
	[tilespmem:s18+$0x10] =	vst v2  }
0x3a: {  	v60 =	vld.idx.msk [tilespmem:v0+s17+$0xFFFFFFF0 ss:$0x1], $0xffff;
	s31 =	sadd.s32 $0x800, s18;
	[tilespmem:s18+$0x20] =	vst v6  }
0x3b: {  	v61 =	vld.idx.msk [tilespmem:v0+s17+$0x0 ss:$0x1], $0xffff;
	[tilespmem:s31+$0x30] =	vst v56  }
0x3c: {  	v62 =	vld.idx.msk [tilespmem:v0+s17+$0x10 ss:$0x1], $0xffff;
	s16 =	sadd.s32 $0x1, s16;
	[tilespmem:s31+$0xFFFFFFC0] =	vst v57  }
0x3d: {  	v63 =	vld.idx.msk [tilespmem:v0+s17+$0x20 ss:$0x1], $0xffff;
	p1 =	sne.s32 s16, $0x10;
	[tilespmem:s31+$0xFFFFFFD0] =	vst v58  }
.Ltmp4:
0x3e: {  	[tilespmem:s31+$0xFFFFFFE0] =	vst v59;
	(pc) =	sbr.rel @p1 .LBB1_3-.Ltmp4, $4  }
0x3f: {  	[tilespmem:s31+$0xFFFFFFF0] =	vst v60  }
0x40: {  	[tilespmem:s31+$0x0] =	vst v61  }
0x41: {  	[tilespmem:s31+$0x10] =	vst v62  }
0x42: {  	s13 =	sadd.s32 $0x80, s13;
	s15 =	sadd.s32 $0x400, s15;
	[tilespmem:s31+$0x20] =	vst v63  }
.Ltmp5:
0x43: {  	(pc) =	sbr.rel .LBB1_7-.Ltmp5, $4  }
0x44: {  	s12 =	sshll.u32 s12, $0xC;
	s11 =	sshll.u32 s11, $0x4  }
0x45: {  	s11 =	sand.u32 $0x1F0, s11;
	s12 =	sadd.s32 s3, s12  }
0x46: {  	s11 =	sadd.s32 s11, s12  }
0x47: {  	[hbm4b:s11+s6] =	stream.strided.scatter [tilespmem:s14], [sflag:$0x2], $0x4000, s7, s6, $0x38;
	[tilespmem:$0x10000] =	vst v63  }
.LBB1_8:
0x48: {  	_ =	sfence.sel $0x180000  }
0x49: {  	s2 =	simm.s32 $0x1;
	[bflag:$0x0] =	sbarrier.arrive $0xFFFF  }
0x4a: {  	s31 =	simm.s32 $0x2;
	[sflag:s2] =	ssyncpa.u1 $0x1  }
0x4b: {  	[sflag:s31] =	ssyncpa.u1 $0x1  }
0x4c: {  	p0 =	sne.s32 s1, $0x0;
	_ =	strace $0x90000047  }
0x4d: {  	s0 =	sadd.s32 @!p0 $0x100000, s0;
	[bflag:$0x2] =	sbarrier.arrive $0xFFFF  }
0x4e: {  	[sflag:s0] =	ssyncadd.tile.s32 @!p0 $0x1;
	_ =	shalt  }
.Lfunc_end1:
_tile_overlayer_lowered:
.L_overlay_start_2:
0x4f: {  	(tag) =	ssettag $0x2  }
0x50: {  	s0 =	rddreg [dreg:$0x0];
	s2 =	stileid.u32  }
0x51: {  	s1 =	rddreg [dreg:$0x1];
	p0 =	sne.s32 s2, $0x0  }
0x52: {  	s3 =	rddreg [dreg:$0x2];
	[bflag:$0x3] =	sbarrier.arrive $0xFFFF;
	s2 =	simm.s32 @!p0 $0x1C01  }
0x53: {  	[timem:s3], [sflag:s2] =	dma.local @!p0 [hbm:s0], s1  }
0x54: {  	s0 =	simm.s32 @!p0 $0x1  }
0x55: {  	_ =	swait.ge @!p0 [sflag:s0], s1  }
0x56: {  	s1 =	ssub.s32 @!p0 $0x0, s1;
	[sflag:s0] =	ssyncset.done @!p0 $0x0  }
0x57: {  	[sflag:s0] =	ssyncadd.s32 @!p0 s1  }
0x58: {  	[bflag:$0x3] =	sbarrier.arrive $0xFFFF  }
0x59: {  	_ =	shalt  }

</sc_bundles>
